<compile_context>
chip_gen: v7x
topology: tpu7x:2x2x1
jax: 0.10.2.dev20260603
libtpu: 0.0.44.dev20260713+nightly
codegen_flags: <defaults>
</compile_context>

<pallas_src>
import functools

import jax
import jax.numpy as jnp
from jax import lax
from jax.experimental import pallas as pl
from jax.experimental.pallas import tpu as pltpu
from jax.experimental.pallas import tpu_sc as plsc

N = 10000
E = 320000
F = 128
D = 128
G = 512
OBS = 64

NC = 2
NS = 16
NW = NC * NS
RND = 5
KR = 2000
EPT = RND * KR
RT = 632
N_PAD = RT * NS

BN = 2000
GRID = N // BN


def _relu(v):
    return jnp.maximum(v, 0.0)


def _prep_body(x_ref, w1p_ref, b1p_ref, w2p_ref, b2p_ref, w3p_ref, b3p_ref,
               w1q_ref, b1q_ref, w2q_ref, b2q_ref, sel_ref, e9_ref,
               xprep_ref, a16_ref):
    xb = x_ref[...]
    h1 = _relu(xb @ w1p_ref[...] + b1p_ref[...])
    h2 = _relu(h1 @ w2p_ref[...] + b2p_ref[...])
    xp = h2 @ w3p_ref[...] + b3p_ref[...]
    xprep_ref[...] = xp
    t1 = _relu(xp @ w1q_ref[...] + b1q_ref[...])
    t2 = _relu(t1 @ w2q_ref[...] + b2q_ref[...])
    a16_ref[...] = t2 @ sel_ref[...] + e9_ref[...]


def _post_body(x_ref, xprep_ref, parts_ref, batch_ref,
               wc_ref, b1a_ref, w2a_ref, b2a_ref, w3a_ref, b3a_ref,
               w1nx_ref, w1ne_ref, b1n_ref, w2n_ref, b2n_ref, sel_ref, e9_ref,
               w3n_ref, w1d_ref, b1d_ref, w2d_ref, b2d_ref, w3d_ref,
               lo_ref, hi_ref,
               node_ref, dage_ref, z_ref, dag_ref):
    acc = parts_ref[0] + parts_ref[1]
    g1 = _relu(acc @ wc_ref[...] + b1a_ref[...])
    g2 = _relu(g1 @ w2a_ref[...] + b2a_ref[...])
    ne = xprep_ref[...] + (g2 @ w3a_ref[...] + b3a_ref[...])
    node_ref[...] = ne
    m1 = _relu(x_ref[...] @ w1nx_ref[...] + ne @ w1ne_ref[...] + b1n_ref[...])
    m2 = _relu(m1 @ w2n_ref[...] + b2n_ref[...])
    m16 = m2 @ sel_ref[...] + e9_ref[...]
    onehot = (lax.broadcasted_iota(jnp.int32, (G, BN), 0)
              == batch_ref[0]).astype(jnp.float32)
    contrib = lax.dot_general(onehot, m16, (((1,), (0,)), ((), ())))

    @pl.when(pl.program_id(0) == 0)
    def _():
        dag_ref[...] = contrib

    @pl.when(pl.program_id(0) != 0)
    def _():
        dag_ref[...] += contrib

    @pl.when(pl.program_id(0) == GRID - 1)
    def _():
        dage = dag_ref[...] @ w3n_ref[...]
        dage_ref[...] = dage
        d1 = _relu(dage @ w1d_ref[...] + b1d_ref[...])
        d2 = _relu(d1 @ w2d_ref[...] + b2d_ref[...])
        d16 = d2 @ sel_ref[...] + e9_ref[...]
        gio = lax.broadcasted_iota(jnp.int32, (OBS, G), 1)
        mask = ((gio >= lo_ref[...]) & (gio < hi_ref[...])).astype(jnp.float32)
        z_ref[...] = (mask @ d16) @ w3d_ref[...]


def _sc_edge_scatter(table, edge_index):
    mesh = plsc.VectorSubcoreMesh(core_axis_name="c", subcore_axis_name="s")

    @functools.partial(
        pl.kernel,
        out_type=jax.ShapeDtypeStruct((NC, N_PAD, 16), jnp.float32),
        mesh=mesh,
        scratch_types=[
            pltpu.VMEM((EPT,), jnp.int32),
            pltpu.VMEM((RND, KR), jnp.int32),
            pltpu.VMEM((2, KR, 16), jnp.float32),
            pltpu.VMEM((RT, 16), jnp.float32),
            pltpu.VMEM_SHARED((N_PAD, 16), jnp.float32),
            pltpu.SemaphoreType.DMA,
            pltpu.SemaphoreType.DMA,
            pltpu.SemaphoreType.DMA,
            pltpu.SemaphoreType.DMA,
        ],
        compiler_params=pltpu.CompilerParams(use_tc_tiling_on_sc=False),
    )
    def body(table_hbm, ei_hbm, out_hbm,
             src_v, dst_v, rows_v, zer_v, acc_sh, gsem, gsem2, ssem0, ssem1):
        c = lax.axis_index("c")
        s = lax.axis_index("s")
        wid = s * NC + c
        base = wid * EPT

        stg = [pltpu.async_copy(ei_hbm.at[0, pl.ds(base, EPT)], src_v, gsem)]
        for r in range(RND):
            stg.append(pltpu.async_copy(
                ei_hbm.at[1, pl.ds(base + r * KR, KR)], dst_v.at[r], gsem))

        def zrow(i, carry):
            zer_v[i, :] = jnp.zeros((16,), jnp.float32)
            return carry

        lax.fori_loop(0, RT, zrow, 0)
        pltpu.sync_copy(zer_v, acc_sh.at[pl.ds(s * RT, RT)])
        for d in stg:
            d.wait()

        ssems = (ssem0, ssem1)
        gsems = (gsem, gsem2)
        scats = [None, None]
        gets = [None, None]
        gets[0] = pltpu.async_copy(
            table_hbm.at[src_v.at[pl.ds(0, KR)]], rows_v.at[0], gsems[0])
        for r in range(RND):
            slot = r % 2
            nslot = (r + 1) % 2
            if r + 1 < RND:
                if scats[nslot] is not None:
                    scats[nslot].wait()
                    scats[nslot] = None
                gets[nslot] = pltpu.async_copy(
                    table_hbm.at[src_v.at[pl.ds((r + 1) * KR, KR)]],
                    rows_v.at[nslot], gsems[nslot])
            gets[slot].wait()
            if r == 0:
                plsc.subcore_barrier()
            scats[slot] = pltpu.async_copy(
                rows_v.at[slot], acc_sh.at[dst_v.at[r]], ssems[slot],
                add=True)
        scats[0].wait()
        scats[1].wait()
        plsc.subcore_barrier()

        pltpu.sync_copy(acc_sh.at[pl.ds(s * RT, RT)],
                        out_hbm.at[c, pl.ds(s * RT, RT)])

    return body(table, edge_index)


def _full(a):
    return pl.BlockSpec(a.shape, lambda i: (0,) * a.ndim)


def kernel(x, edge_index, batch, obs_indptr, prep, proc, agg, node, dag):
    w1p, b1p, w2p, b2p, w3p, b3p = prep
    w1q, b1q, w2q, b2q, w3q, b3q = proc
    w1a, b1a, w2a, b2a, w3a, b3a = agg
    w1n, b1n, w2n, b2n, w3n, b3n = node
    w1d, b1d, w2d, b2d, w3d, b3d = dag
    f32 = jnp.float32

    sel = jnp.concatenate([jnp.eye(8, dtype=f32), jnp.zeros((8, 8), f32)], 1)
    e9 = jnp.zeros((1, 16), f32).at[0, 8].set(1.0)
    zpad = jnp.zeros((7, D), f32)
    w3q_ext = jnp.concatenate([w3q, b3q[None, :], zpad], 0)
    wc = w3q_ext @ w1a
    w3n_ext = jnp.concatenate([w3n, b3n[None, :], zpad], 0)
    w3d_ext = jnp.concatenate([w3d, b3d[None, :], zpad], 0)
    r = lambda b: b.reshape(1, -1)

    a_ins = (x, w1p, r(b1p), w2p, r(b2p), w3p, r(b3p),
             w1q, r(b1q), w2q, r(b2q), sel, e9)
    xprep, a16 = pl.pallas_call(
        _prep_body,
        grid=(GRID,),
        in_specs=[pl.BlockSpec((BN, F), lambda i: (i, 0))]
        + [_full(a) for a in a_ins[1:]],
        out_specs=[pl.BlockSpec((BN, D), lambda i: (i, 0)),
                   pl.BlockSpec((BN, 16), lambda i: (i, 0))],
        out_shape=[jax.ShapeDtypeStruct((N, D), f32),
                   jax.ShapeDtypeStruct((N, 16), f32)],
    )(*a_ins)

    parts = _sc_edge_scatter(a16, edge_index)

    lo = obs_indptr[:-1].reshape(OBS, 1)
    hi = obs_indptr[1:].reshape(OBS, 1)
    c_ins = (x, xprep, parts, batch.reshape(GRID, 1, BN),
             wc, r(b1a), w2a, r(b2a), w3a, r(b3a),
             w1n[:F], w1n[F:], r(b1n), w2n, r(b2n), sel, e9,
             w3n_ext, w1d, r(b1d), w2d, r(b2d), w3d_ext, lo, hi)
    node_emb, dag_emb, z, _ = pl.pallas_call(
        _post_body,
        grid=(GRID,),
        in_specs=[pl.BlockSpec((BN, F), lambda i: (i, 0)),
                  pl.BlockSpec((BN, D), lambda i: (i, 0)),
                  pl.BlockSpec((NC, BN, 16), lambda i: (0, i, 0)),
                  pl.BlockSpec((1, 1, BN), lambda i: (i, 0, 0))]
        + [_full(a) for a in c_ins[4:]],
        out_specs=[pl.BlockSpec((BN, D), lambda i: (i, 0)),
                   pl.BlockSpec((G, D), lambda i: (0, 0)),
                   pl.BlockSpec((OBS, D), lambda i: (0, 0)),
                   pl.BlockSpec((G, 16), lambda i: (0, 0))],
        out_shape=[jax.ShapeDtypeStruct((N, D), f32),
                   jax.ShapeDtypeStruct((G, D), f32),
                   jax.ShapeDtypeStruct((OBS, D), f32),
                   jax.ShapeDtypeStruct((G, 16), f32)],
    )(*c_ins)

    return node_emb, dag_emb, z

# --- scband reference (transcript-rebuilt; emitter-appended) ---
"""Pipeline reference for scband-graph-encoder-network-120259085246 (READ-ONLY COPY).

The authoritative reference and input builder live on the scoring server;
editing this copy changes nothing except your own understanding.
"""

import jax, jax.numpy as jnp
import numpy as np

N = 10000
E = 320000
F = 128
D = 128
G = 512
OBS = 64


def _mlp_params(key, in_ch, out_ch, h1=16, h2=8):
    k1, k2, k3 = jax.random.split(key, 3)
    return (
        jax.random.normal(k1, (in_ch, h1), jnp.float32) * (1.0 / np.sqrt(in_ch)),
        jnp.zeros((h1,), jnp.float32),
        jax.random.normal(k2, (h1, h2), jnp.float32) * (1.0 / np.sqrt(h1)),
        jnp.zeros((h2,), jnp.float32),
        jax.random.normal(k3, (h2, out_ch), jnp.float32) * (1.0 / np.sqrt(h2)),
        jnp.zeros((out_ch,), jnp.float32),
    )


def _apply_mlp(p, h):
    W1, b1, W2, b2, W3, b3 = p
    h = jax.nn.relu(h @ W1 + b1)
    h = jax.nn.relu(h @ W2 + b2)
    return h @ W3 + b3


def setup_inputs(seed: int = 0) -> dict:
    key = jax.random.key(seed)
    ks = jax.random.split(key, 10)
    x = jax.random.normal(ks[0], (N, F), jnp.float32)
    edge_index = jax.random.randint(ks[1], (2, E), 0, N, dtype=jnp.int32)
    batch = jnp.sort(jax.random.randint(ks[2], (N,), 0, G, dtype=jnp.int32))
    obs_indptr = jnp.sort(jax.random.randint(ks[3], (OBS + 1,), 0, G, dtype=jnp.int32))
    obs_indptr = obs_indptr.at[0].set(0).at[-1].set(G)
    return {
        'x': x,
        'edge_index': edge_index,
        'batch': batch,
        'obs_indptr': obs_indptr,
        'prep': _mlp_params(ks[4], F, D),
        'proc': _mlp_params(ks[5], D, D),
        'agg': _mlp_params(ks[6], D, D),
        'node': _mlp_params(ks[7], F + D, D),
        'dag': _mlp_params(ks[8], D, D),
    }


def reference(x, edge_index, batch, obs_indptr, prep, proc, agg, node, dag):
    src = edge_index[0]
    dst = edge_index[1]
    # GCNConv: x_prep = mlp_prep(x)
    x_prep = _apply_mlp(prep, x)
    # message_and_aggregate: mlp_proc then sparse adj_t matmul (scatter-add over dst)
    h = _apply_mlp(proc, x_prep)
    aggr = jnp.zeros((x.shape[0], h.shape[1]), h.dtype).at[dst].add(h[src])
    # update: mlp_agg
    x_agg = _apply_mlp(agg, aggr)
    node_embeddings = x_prep + x_agg
    # dag embeddings: concat raw features + node embeddings, mlp_node, global_add_pool per dag
    merged = _apply_mlp(node, jnp.concatenate([x, node_embeddings], axis=1))
    dag_embeddings = jax.ops.segment_sum(merged, batch, num_segments=G)
    # global embeddings: mlp_dag then segment_add_csr over obs_indptr
    dag2 = _apply_mlp(dag, dag_embeddings)
    cs = jnp.concatenate([jnp.zeros((1, dag2.shape[1]), dag2.dtype), jnp.cumsum(dag2, axis=0)], axis=0)
    z = cs[obs_indptr[1:]] - cs[obs_indptr[:-1]]
    return (node_embeddings, dag_embeddings, z)

if __name__ == "__main__":
    import jax
    _d = setup_inputs()
    print(jax.jit(kernel)(*tuple(_d.values())))

</pallas_src>

<mosaic_0001>
#map = affine_map<(d0, d1) -> (0, 0)>
#map1 = affine_map<(d0, d1) -> (0, 0, 0)>
module attributes {stable_mosaic.version = 14 : i64} {
  func.func @body(%arg0: i32, %arg1: i32, %arg2: memref<10000x16xf32, #tpu.memory_space<hbm>>, %arg3: memref<2x320000xi32, #tpu.memory_space<hbm>>, %arg4: memref<2x10112x16xf32, #tpu.memory_space<hbm>>, %arg5: memref<10000xi32, #tpu.memory_space<vmem>>, %arg6: memref<5x2000xi32, #tpu.memory_space<vmem>>, %arg7: memref<2x2000x16xf32, #tpu.memory_space<vmem>>, %arg8: memref<632x16xf32, #tpu.memory_space<vmem>>, %arg9: memref<10112x16xf32, #tpu.memory_space<vmem_shared>>, %arg10: memref<!tpu.dma_semaphore, #tpu.memory_space<semaphore_mem>>, %arg11: memref<!tpu.dma_semaphore, #tpu.memory_space<semaphore_mem>>, %arg12: memref<!tpu.dma_semaphore, #tpu.memory_space<semaphore_mem>>, %arg13: memref<!tpu.dma_semaphore, #tpu.memory_space<semaphore_mem>>) attributes {dimension_semantics = [#tpu.dimension_semantics<core_parallel>, #tpu.dimension_semantics<subcore_parallel>], iteration_bounds = array<i64: 2, 16>, scalar_prefetch = 0 : i64, scratch_operands = 9 : i64, tpu.core_type = #tpu.core_type<sc_vector_subcore>, window_params = [{transform_indices = #map}, {transform_indices = #map}, {transform_indices = #map1}]} {
    %mul3A = arith.constant 2 : i32
    %mul3A_0 = arith.muli %arg1, %mul3A : i32
    %add3A = arith.addi %mul3A_0, %arg0 : i32
    %mul3A_1 = arith.constant 10000 : i32
    %mul3A_2 = arith.muli %add3A, %mul3A_1 : i32
    %dma_start3A = arith.constant 0 : i32
    %dma_start3A_3 = tpu.memref_slice %arg3[%dma_start3A, %mul3A_2] : memref<2x320000xi32, #tpu.memory_space<hbm>> -> memref<1x10000xi32, #tpu.memory_space<hbm>>
    %dma_start3A_4 = tpu.memref_squeeze %dma_start3A_3 : memref<1x10000xi32, #tpu.memory_space<hbm>> -> memref<10000xi32, #tpu.memory_space<hbm>>
    %dma_start3A_5 = tpu.memref_slice %arg3[%dma_start3A, %mul3A_2] : memref<2x320000xi32, #tpu.memory_space<hbm>> -> memref<1x10000xi32, #tpu.memory_space<hbm>>
    %dma_start3A_6 = tpu.memref_squeeze %dma_start3A_5 : memref<1x10000xi32, #tpu.memory_space<hbm>> -> memref<10000xi32, #tpu.memory_space<hbm>>
    tpu.enqueue_dma source(%dma_start3A_6 : memref<10000xi32, #tpu.memory_space<hbm>>) target(%arg5 : memref<10000xi32, #tpu.memory_space<vmem>>) target_semaphore(%arg10 : memref<!tpu.dma_semaphore, #tpu.memory_space<semaphore_mem>>)
    %add3A_7 = arith.constant 0 : i32
    %add3A_8 = arith.addi %mul3A_2, %add3A_7 : i32
    %dma_start3A_9 = arith.constant 1 : i32
    %dma_start3A_10 = arith.constant 0 : i32
    %dma_start3A_11 = arith.constant 0 : i32
    %dma_start3A_12 = tpu.memref_slice %arg6[%dma_start3A_10, %dma_start3A_11] : memref<5x2000xi32, #tpu.memory_space<vmem>> -> memref<1x2000xi32, #tpu.memory_space<vmem>>
    %dma_start3A_13 = tpu.memref_squeeze %dma_start3A_12 : memref<1x2000xi32, #tpu.memory_space<vmem>> -> memref<2000xi32, #tpu.memory_space<vmem>>
    %dma_start3A_14 = tpu.memref_slice %arg3[%dma_start3A_9, %add3A_8] : memref<2x320000xi32, #tpu.memory_space<hbm>> -> memref<1x2000xi32, #tpu.memory_space<hbm>>
    %dma_start3A_15 = tpu.memref_squeeze %dma_start3A_14 : memref<1x2000xi32, #tpu.memory_space<hbm>> -> memref<2000xi32, #tpu.memory_space<hbm>>
    %dma_start3A_16 = arith.constant 0 : i32
    %dma_start3A_17 = tpu.memref_slice %arg6[%dma_start3A_10, %dma_start3A_16] : memref<5x2000xi32, #tpu.memory_space<vmem>> -> memref<1x2000xi32, #tpu.memory_space<vmem>>
    %dma_start3A_18 = tpu.memref_squeeze %dma_start3A_17 : memref<1x2000xi32, #tpu.memory_space<vmem>> -> memref<2000xi32, #tpu.memory_space<vmem>>
    %dma_start3A_19 = tpu.memref_slice %arg3[%dma_start3A_9, %add3A_8] : memref<2x320000xi32, #tpu.memory_space<hbm>> -> memref<1x2000xi32, #tpu.memory_space<hbm>>
    %dma_start3A_20 = tpu.memref_squeeze %dma_start3A_19 : memref<1x2000xi32, #tpu.memory_space<hbm>> -> memref<2000xi32, #tpu.memory_space<hbm>>
    tpu.enqueue_dma source(%dma_start3A_20 : memref<2000xi32, #tpu.memory_space<hbm>>) target(%dma_start3A_18 : memref<2000xi32, #tpu.memory_space<vmem>>) target_semaphore(%arg10 : memref<!tpu.dma_semaphore, #tpu.memory_space<semaphore_mem>>)
    %add3A_21 = arith.constant 2000 : i32
    %add3A_22 = arith.addi %mul3A_2, %add3A_21 : i32
    %dma_start3A_23 = arith.constant 1 : i32
    %dma_start3A_24 = arith.constant 1 : i32
    %dma_start3A_25 = arith.constant 0 : i32
    %dma_start3A_26 = tpu.memref_slice %arg6[%dma_start3A_24, %dma_start3A_25] : memref<5x2000xi32, #tpu.memory_space<vmem>> -> memref<1x2000xi32, #tpu.memory_space<vmem>>
    %dma_start3A_27 = tpu.memref_squeeze %dma_start3A_26 : memref<1x2000xi32, #tpu.memory_space<vmem>> -> memref<2000xi32, #tpu.memory_space<vmem>>
    %dma_start3A_28 = tpu.memref_slice %arg3[%dma_start3A_23, %add3A_22] : memref<2x320000xi32, #tpu.memory_space<hbm>> -> memref<1x2000xi32, #tpu.memory_space<hbm>>
    %dma_start3A_29 = tpu.memref_squeeze %dma_start3A_28 : memref<1x2000xi32, #tpu.memory_space<hbm>> -> memref<2000xi32, #tpu.memory_space<hbm>>
    %dma_start3A_30 = arith.constant 0 : i32
    %dma_start3A_31 = tpu.memref_slice %arg6[%dma_start3A_24, %dma_start3A_30] : memref<5x2000xi32, #tpu.memory_space<vmem>> -> memref<1x2000xi32, #tpu.memory_space<vmem>>
    %dma_start3A_32 = tpu.memref_squeeze %dma_start3A_31 : memref<1x2000xi32, #tpu.memory_space<vmem>> -> memref<2000xi32, #tpu.memory_space<vmem>>
    %dma_start3A_33 = tpu.memref_slice %arg3[%dma_start3A_23, %add3A_22] : memref<2x320000xi32, #tpu.memory_space<hbm>> -> memref<1x2000xi32, #tpu.memory_space<hbm>>
    %dma_start3A_34 = tpu.memref_squeeze %dma_start3A_33 : memref<1x2000xi32, #tpu.memory_space<hbm>> -> memref<2000xi32, #tpu.memory_space<hbm>>
    tpu.enqueue_dma source(%dma_start3A_34 : memref<2000xi32, #tpu.memory_space<hbm>>) target(%dma_start3A_32 : memref<2000xi32, #tpu.memory_space<vmem>>) target_semaphore(%arg10 : memref<!tpu.dma_semaphore, #tpu.memory_space<semaphore_mem>>)
    %add3A_35 = arith.constant 4000 : i32
    %add3A_36 = arith.addi %mul3A_2, %add3A_35 : i32
    %dma_start3A_37 = arith.constant 1 : i32
    %dma_start3A_38 = arith.constant 2 : i32
    %dma_start3A_39 = arith.constant 0 : i32
    %dma_start3A_40 = tpu.memref_slice %arg6[%dma_start3A_38, %dma_start3A_39] : memref<5x2000xi32, #tpu.memory_space<vmem>> -> memref<1x2000xi32, #tpu.memory_space<vmem>>
    %dma_start3A_41 = tpu.memref_squeeze %dma_start3A_40 : memref<1x2000xi32, #tpu.memory_space<vmem>> -> memref<2000xi32, #tpu.memory_space<vmem>>
    %dma_start3A_42 = tpu.memref_slice %arg3[%dma_start3A_37, %add3A_36] : memref<2x320000xi32, #tpu.memory_space<hbm>> -> memref<1x2000xi32, #tpu.memory_space<hbm>>
    %dma_start3A_43 = tpu.memref_squeeze %dma_start3A_42 : memref<1x2000xi32, #tpu.memory_space<hbm>> -> memref<2000xi32, #tpu.memory_space<hbm>>
    %dma_start3A_44 = arith.constant 0 : i32
    %dma_start3A_45 = tpu.memref_slice %arg6[%dma_start3A_38, %dma_start3A_44] : memref<5x2000xi32, #tpu.memory_space<vmem>> -> memref<1x2000xi32, #tpu.memory_space<vmem>>
    %dma_start3A_46 = tpu.memref_squeeze %dma_start3A_45 : memref<1x2000xi32, #tpu.memory_space<vmem>> -> memref<2000xi32, #tpu.memory_space<vmem>>
    %dma_start3A_47 = tpu.memref_slice %arg3[%dma_start3A_37, %add3A_36] : memref<2x320000xi32, #tpu.memory_space<hbm>> -> memref<1x2000xi32, #tpu.memory_space<hbm>>
    %dma_start3A_48 = tpu.memref_squeeze %dma_start3A_47 : memref<1x2000xi32, #tpu.memory_space<hbm>> -> memref<2000xi32, #tpu.memory_space<hbm>>
    tpu.enqueue_dma source(%dma_start3A_48 : memref<2000xi32, #tpu.memory_space<hbm>>) target(%dma_start3A_46 : memref<2000xi32, #tpu.memory_space<vmem>>) target_semaphore(%arg10 : memref<!tpu.dma_semaphore, #tpu.memory_space<semaphore_mem>>)
    %add3A_49 = arith.constant 6000 : i32
    %add3A_50 = arith.addi %mul3A_2, %add3A_49 : i32
    %dma_start3A_51 = arith.constant 1 : i32
    %dma_start3A_52 = arith.constant 3 : i32
    %dma_start3A_53 = arith.constant 0 : i32
    %dma_start3A_54 = tpu.memref_slice %arg6[%dma_start3A_52, %dma_start3A_53] : memref<5x2000xi32, #tpu.memory_space<vmem>> -> memref<1x2000xi32, #tpu.memory_space<vmem>>
    %dma_start3A_55 = tpu.memref_squeeze %dma_start3A_54 : memref<1x2000xi32, #tpu.memory_space<vmem>> -> memref<2000xi32, #tpu.memory_space<vmem>>
    %dma_start3A_56 = tpu.memref_slice %arg3[%dma_start3A_51, %add3A_50] : memref<2x320000xi32, #tpu.memory_space<hbm>> -> memref<1x2000xi32, #tpu.memory_space<hbm>>
    %dma_start3A_57 = tpu.memref_squeeze %dma_start3A_56 : memref<1x2000xi32, #tpu.memory_space<hbm>> -> memref<2000xi32, #tpu.memory_space<hbm>>
    %dma_start3A_58 = arith.constant 0 : i32
    %dma_start3A_59 = tpu.memref_slice %arg6[%dma_start3A_52, %dma_start3A_58] : memref<5x2000xi32, #tpu.memory_space<vmem>> -> memref<1x2000xi32, #tpu.memory_space<vmem>>
    %dma_start3A_60 = tpu.memref_squeeze %dma_start3A_59 : memref<1x2000xi32, #tpu.memory_space<vmem>> -> memref<2000xi32, #tpu.memory_space<vmem>>
    %dma_start3A_61 = tpu.memref_slice %arg3[%dma_start3A_51, %add3A_50] : memref<2x320000xi32, #tpu.memory_space<hbm>> -> memref<1x2000xi32, #tpu.memory_space<hbm>>
    %dma_start3A_62 = tpu.memref_squeeze %dma_start3A_61 : memref<1x2000xi32, #tpu.memory_space<hbm>> -> memref<2000xi32, #tpu.memory_space<hbm>>
    tpu.enqueue_dma source(%dma_start3A_62 : memref<2000xi32, #tpu.memory_space<hbm>>) target(%dma_start3A_60 : memref<2000xi32, #tpu.memory_space<vmem>>) target_semaphore(%arg10 : memref<!tpu.dma_semaphore, #tpu.memory_space<semaphore_mem>>)
    %add3A_63 = arith.constant 8000 : i32
    %add3A_64 = arith.addi %mul3A_2, %add3A_63 : i32
    %dma_start3A_65 = arith.constant 1 : i32
    %dma_start3A_66 = arith.constant 4 : i32
    %dma_start3A_67 = arith.constant 0 : i32
    %dma_start3A_68 = tpu.memref_slice %arg6[%dma_start3A_66, %dma_start3A_67] : memref<5x2000xi32, #tpu.memory_space<vmem>> -> memref<1x2000xi32, #tpu.memory_space<vmem>>
    %dma_start3A_69 = tpu.memref_squeeze %dma_start3A_68 : memref<1x2000xi32, #tpu.memory_space<vmem>> -> memref<2000xi32, #tpu.memory_space<vmem>>
    %dma_start3A_70 = tpu.memref_slice %arg3[%dma_start3A_65, %add3A_64] : memref<2x320000xi32, #tpu.memory_space<hbm>> -> memref<1x2000xi32, #tpu.memory_space<hbm>>
    %dma_start3A_71 = tpu.memref_squeeze %dma_start3A_70 : memref<1x2000xi32, #tpu.memory_space<hbm>> -> memref<2000xi32, #tpu.memory_space<hbm>>
    %dma_start3A_72 = arith.constant 0 : i32
    %dma_start3A_73 = tpu.memref_slice %arg6[%dma_start3A_66, %dma_start3A_72] : memref<5x2000xi32, #tpu.memory_space<vmem>> -> memref<1x2000xi32, #tpu.memory_space<vmem>>
    %dma_start3A_74 = tpu.memref_squeeze %dma_start3A_73 : memref<1x2000xi32, #tpu.memory_space<vmem>> -> memref<2000xi32, #tpu.memory_space<vmem>>
    %dma_start3A_75 = tpu.memref_slice %arg3[%dma_start3A_65, %add3A_64] : memref<2x320000xi32, #tpu.memory_space<hbm>> -> memref<1x2000xi32, #tpu.memory_space<hbm>>
    %dma_start3A_76 = tpu.memref_squeeze %dma_start3A_75 : memref<1x2000xi32, #tpu.memory_space<hbm>> -> memref<2000xi32, #tpu.memory_space<hbm>>
    tpu.enqueue_dma source(%dma_start3A_76 : memref<2000xi32, #tpu.memory_space<hbm>>) target(%dma_start3A_74 : memref<2000xi32, #tpu.memory_space<vmem>>) target_semaphore(%arg10 : memref<!tpu.dma_semaphore, #tpu.memory_space<semaphore_mem>>)
    %scan3A = arith.constant 0 : i32
    %scan3A_77 = arith.constant 0 : i32
    %scan3A_78 = arith.constant 632 : i32
    %scan3A_79 = arith.addi %scan3A_77, %scan3A_78 : i32
    %scan3A_80 = arith.constant 1 : i32
    scf.for %scan3A_373 = %scan3A_77 to %scan3A_79 step %scan3A_80  : i32 {
      %broadcast_in_dim3A = arith.constant 0.000000e+00 : f32
      %broadcast_in_dim3A_374 = vector.broadcast %broadcast_in_dim3A : f32 to vector<16xf32>
      %swap3A = arith.index_cast %scan3A_373 : i32 to index
      %swap3A_375 = arith.constant 0 : index
      %swap3A_376 = tpu.vector_load %arg8[%swap3A, %swap3A_375] {strides = array<i32>} : memref<632x16xf32, #tpu.memory_space<vmem>>, vector<1x16xf32>,
      %swap3A_377 = vector.shape_cast %swap3A_376 : vector<1x16xf32> to vector<16xf32>
      %swap3A_378 = vector.shape_cast %broadcast_in_dim3A_374 : vector<16xf32> to vector<1x16xf32>
      tpu.vector_store %arg8[%swap3A, %swap3A_375], %swap3A_378 {strides = array<i32>} : memref<632x16xf32, #tpu.memory_space<vmem>>, vector<1x16xf32>,
    }
    %scan3A_81 = arith.constant 632 : i32
    %mul3A_82 = arith.constant 632 : i32
    %mul3A_83 = arith.muli %arg1, %mul3A_82 : i32
    "tpu.region"() ({
      %run_scoped3A = tpu.sem_alloc : memref<!tpu.dma_semaphore, #tpu.memory_space<semaphore_mem>>
      %dma_start3A_373 = arith.constant 0 : i32
      %dma_start3A_374 = tpu.memref_slice %arg9[%mul3A_83, %dma_start3A_373] : memref<10112x16xf32, #tpu.memory_space<vmem_shared>> -> memref<632x16xf32, #tpu.memory_space<vmem_shared>>
      %dma_start3A_375 = arith.constant 0 : i32
      %dma_start3A_376 = tpu.memref_slice %arg9[%mul3A_83, %dma_start3A_375] : memref<10112x16xf32, #tpu.memory_space<vmem_shared>> -> memref<632x16xf32, #tpu.memory_space<vmem_shared>>
      tpu.enqueue_dma source(%arg8 : memref<632x16xf32, #tpu.memory_space<vmem>>) target(%dma_start3A_376 : memref<632x16xf32, #tpu.memory_space<vmem_shared>>) target_semaphore(%run_scoped3A : memref<!tpu.dma_semaphore, #tpu.memory_space<semaphore_mem>>)
      %dma_wait3A_377 = arith.constant 0 : i32
      %dma_wait3A_378 = tpu.memref_slice %arg9[%mul3A_83, %dma_wait3A_377] : memref<10112x16xf32, #tpu.memory_space<vmem_shared>> -> memref<632x16xf32, #tpu.memory_space<vmem_shared>>
      %dma_wait3A_379 = arith.constant 0 : i32
      %dma_wait3A_380 = tpu.memref_slice %arg9[%mul3A_83, %dma_wait3A_379] : memref<10112x16xf32, #tpu.memory_space<vmem_shared>> -> memref<632x16xf32, #tpu.memory_space<vmem_shared>>
      tpu.wait_dma2 semaphore(%run_scoped3A : memref<!tpu.dma_semaphore, #tpu.memory_space<semaphore_mem>>) src(%arg8 : memref<632x16xf32, #tpu.memory_space<vmem>>) dst(%dma_wait3A_380 : memref<632x16xf32, #tpu.memory_space<vmem_shared>>)
      tpu.yield
    }) : () -> ()
    %dma_wait3A = arith.constant 0 : i32
    %dma_wait3A_84 = tpu.memref_slice %arg3[%dma_wait3A, %mul3A_2] : memref<2x320000xi32, #tpu.memory_space<hbm>> -> memref<1x10000xi32, #tpu.memory_space<hbm>>
    %dma_wait3A_85 = tpu.memref_squeeze %dma_wait3A_84 : memref<1x10000xi32, #tpu.memory_space<hbm>> -> memref<10000xi32, #tpu.memory_space<hbm>>
    %dma_wait3A_86 = tpu.memref_slice %arg3[%dma_wait3A, %mul3A_2] : memref<2x320000xi32, #tpu.memory_space<hbm>> -> memref<1x10000xi32, #tpu.memory_space<hbm>>
    %dma_wait3A_87 = tpu.memref_squeeze %dma_wait3A_86 : memref<1x10000xi32, #tpu.memory_space<hbm>> -> memref<10000xi32, #tpu.memory_space<hbm>>
    tpu.wait_dma2 semaphore(%arg10 : memref<!tpu.dma_semaphore, #tpu.memory_space<semaphore_mem>>) src(%dma_wait3A_87 : memref<10000xi32, #tpu.memory_space<hbm>>) dst(%arg5 : memref<10000xi32, #tpu.memory_space<vmem>>)
    %dma_wait3A_88 = arith.constant 1 : i32
    %dma_wait3A_89 = arith.constant 0 : i32
    %dma_wait3A_90 = arith.constant 0 : i32
    %dma_wait3A_91 = tpu.memref_slice %arg6[%dma_wait3A_89, %dma_wait3A_90] : memref<5x2000xi32, #tpu.memory_space<vmem>> -> memref<1x2000xi32, #tpu.memory_space<vmem>>
    %dma_wait3A_92 = tpu.memref_squeeze %dma_wait3A_91 : memref<1x2000xi32, #tpu.memory_space<vmem>> -> memref<2000xi32, #tpu.memory_space<vmem>>
    %dma_wait3A_93 = tpu.memref_slice %arg3[%dma_wait3A_88, %add3A_8] : memref<2x320000xi32, #tpu.memory_space<hbm>> -> memref<1x2000xi32, #tpu.memory_space<hbm>>
    %dma_wait3A_94 = tpu.memref_squeeze %dma_wait3A_93 : memref<1x2000xi32, #tpu.memory_space<hbm>> -> memref<2000xi32, #tpu.memory_space<hbm>>
    %dma_wait3A_95 = arith.constant 0 : i32
    %dma_wait3A_96 = tpu.memref_slice %arg6[%dma_wait3A_89, %dma_wait3A_95] : memref<5x2000xi32, #tpu.memory_space<vmem>> -> memref<1x2000xi32, #tpu.memory_space<vmem>>
    %dma_wait3A_97 = tpu.memref_squeeze %dma_wait3A_96 : memref<1x2000xi32, #tpu.memory_space<vmem>> -> memref<2000xi32, #tpu.memory_space<vmem>>
    %dma_wait3A_98 = tpu.memref_slice %arg3[%dma_wait3A_88, %add3A_8] : memref<2x320000xi32, #tpu.memory_space<hbm>> -> memref<1x2000xi32, #tpu.memory_space<hbm>>
    %dma_wait3A_99 = tpu.memref_squeeze %dma_wait3A_98 : memref<1x2000xi32, #tpu.memory_space<hbm>> -> memref<2000xi32, #tpu.memory_space<hbm>>
    tpu.wait_dma2 semaphore(%arg10 : memref<!tpu.dma_semaphore, #tpu.memory_space<semaphore_mem>>) src(%dma_wait3A_99 : memref<2000xi32, #tpu.memory_space<hbm>>) dst(%dma_wait3A_97 : memref<2000xi32, #tpu.memory_space<vmem>>)
    %dma_wait3A_100 = arith.constant 1 : i32
    %dma_wait3A_101 = arith.constant 1 : i32
    %dma_wait3A_102 = arith.constant 0 : i32
    %dma_wait3A_103 = tpu.memref_slice %arg6[%dma_wait3A_101, %dma_wait3A_102] : memref<5x2000xi32, #tpu.memory_space<vmem>> -> memref<1x2000xi32, #tpu.memory_space<vmem>>
    %dma_wait3A_104 = tpu.memref_squeeze %dma_wait3A_103 : memref<1x2000xi32, #tpu.memory_space<vmem>> -> memref<2000xi32, #tpu.memory_space<vmem>>
    %dma_wait3A_105 = tpu.memref_slice %arg3[%dma_wait3A_100, %add3A_22] : memref<2x320000xi32, #tpu.memory_space<hbm>> -> memref<1x2000xi32, #tpu.memory_space<hbm>>
    %dma_wait3A_106 = tpu.memref_squeeze %dma_wait3A_105 : memref<1x2000xi32, #tpu.memory_space<hbm>> -> memref<2000xi32, #tpu.memory_space<hbm>>
    %dma_wait3A_107 = arith.constant 0 : i32
    %dma_wait3A_108 = tpu.memref_slice %arg6[%dma_wait3A_101, %dma_wait3A_107] : memref<5x2000xi32, #tpu.memory_space<vmem>> -> memref<1x2000xi32, #tpu.memory_space<vmem>>
    %dma_wait3A_109 = tpu.memref_squeeze %dma_wait3A_108 : memref<1x2000xi32, #tpu.memory_space<vmem>> -> memref<2000xi32, #tpu.memory_space<vmem>>
    %dma_wait3A_110 = tpu.memref_slice %arg3[%dma_wait3A_100, %add3A_22] : memref<2x320000xi32, #tpu.memory_space<hbm>> -> memref<1x2000xi32, #tpu.memory_space<hbm>>
    %dma_wait3A_111 = tpu.memref_squeeze %dma_wait3A_110 : memref<1x2000xi32, #tpu.memory_space<hbm>> -> memref<2000xi32, #tpu.memory_space<hbm>>
    tpu.wait_dma2 semaphore(%arg10 : memref<!tpu.dma_semaphore, #tpu.memory_space<semaphore_mem>>) src(%dma_wait3A_111 : memref<2000xi32, #tpu.memory_space<hbm>>) dst(%dma_wait3A_109 : memref<2000xi32, #tpu.memory_space<vmem>>)
    %dma_wait3A_112 = arith.constant 1 : i32
    %dma_wait3A_113 = arith.constant 2 : i32
    %dma_wait3A_114 = arith.constant 0 : i32
    %dma_wait3A_115 = tpu.memref_slice %arg6[%dma_wait3A_113, %dma_wait3A_114] : memref<5x2000xi32, #tpu.memory_space<vmem>> -> memref<1x2000xi32, #tpu.memory_space<vmem>>
    %dma_wait3A_116 = tpu.memref_squeeze %dma_wait3A_115 : memref<1x2000xi32, #tpu.memory_space<vmem>> -> memref<2000xi32, #tpu.memory_space<vmem>>
    %dma_wait3A_117 = tpu.memref_slice %arg3[%dma_wait3A_112, %add3A_36] : memref<2x320000xi32, #tpu.memory_space<hbm>> -> memref<1x2000xi32, #tpu.memory_space<hbm>>
    %dma_wait3A_118 = tpu.memref_squeeze %dma_wait3A_117 : memref<1x2000xi32, #tpu.memory_space<hbm>> -> memref<2000xi32, #tpu.memory_space<hbm>>
    %dma_wait3A_119 = arith.constant 0 : i32
    %dma_wait3A_120 = tpu.memref_slice %arg6[%dma_wait3A_113, %dma_wait3A_119] : memref<5x2000xi32, #tpu.memory_space<vmem>> -> memref<1x2000xi32, #tpu.memory_space<vmem>>
    %dma_wait3A_121 = tpu.memref_squeeze %dma_wait3A_120 : memref<1x2000xi32, #tpu.memory_space<vmem>> -> memref<2000xi32, #tpu.memory_space<vmem>>
    %dma_wait3A_122 = tpu.memref_slice %arg3[%dma_wait3A_112, %add3A_36] : memref<2x320000xi32, #tpu.memory_space<hbm>> -> memref<1x2000xi32, #tpu.memory_space<hbm>>
    %dma_wait3A_123 = tpu.memref_squeeze %dma_wait3A_122 : memref<1x2000xi32, #tpu.memory_space<hbm>> -> memref<2000xi32, #tpu.memory_space<hbm>>
    tpu.wait_dma2 semaphore(%arg10 : memref<!tpu.dma_semaphore, #tpu.memory_space<semaphore_mem>>) src(%dma_wait3A_123 : memref<2000xi32, #tpu.memory_space<hbm>>) dst(%dma_wait3A_121 : memref<2000xi32, #tpu.memory_space<vmem>>)
    %dma_wait3A_124 = arith.constant 1 : i32
    %dma_wait3A_125 = arith.constant 3 : i32
    %dma_wait3A_126 = arith.constant 0 : i32
    %dma_wait3A_127 = tpu.memref_slice %arg6[%dma_wait3A_125, %dma_wait3A_126] : memref<5x2000xi32, #tpu.memory_space<vmem>> -> memref<1x2000xi32, #tpu.memory_space<vmem>>
    %dma_wait3A_128 = tpu.memref_squeeze %dma_wait3A_127 : memref<1x2000xi32, #tpu.memory_space<vmem>> -> memref<2000xi32, #tpu.memory_space<vmem>>
    %dma_wait3A_129 = tpu.memref_slice %arg3[%dma_wait3A_124, %add3A_50] : memref<2x320000xi32, #tpu.memory_space<hbm>> -> memref<1x2000xi32, #tpu.memory_space<hbm>>
    %dma_wait3A_130 = tpu.memref_squeeze %dma_wait3A_129 : memref<1x2000xi32, #tpu.memory_space<hbm>> -> memref<2000xi32, #tpu.memory_space<hbm>>
    %dma_wait3A_131 = arith.constant 0 : i32
    %dma_wait3A_132 = tpu.memref_slice %arg6[%dma_wait3A_125, %dma_wait3A_131] : memref<5x2000xi32, #tpu.memory_space<vmem>> -> memref<1x2000xi32, #tpu.memory_space<vmem>>
    %dma_wait3A_133 = tpu.memref_squeeze %dma_wait3A_132 : memref<1x2000xi32, #tpu.memory_space<vmem>> -> memref<2000xi32, #tpu.memory_space<vmem>>
    %dma_wait3A_134 = tpu.memref_slice %arg3[%dma_wait3A_124, %add3A_50] : memref<2x320000xi32, #tpu.memory_space<hbm>> -> memref<1x2000xi32, #tpu.memory_space<hbm>>
    %dma_wait3A_135 = tpu.memref_squeeze %dma_wait3A_134 : memref<1x2000xi32, #tpu.memory_space<hbm>> -> memref<2000xi32, #tpu.memory_space<hbm>>
    tpu.wait_dma2 semaphore(%arg10 : memref<!tpu.dma_semaphore, #tpu.memory_space<semaphore_mem>>) src(%dma_wait3A_135 : memref<2000xi32, #tpu.memory_space<hbm>>) dst(%dma_wait3A_133 : memref<2000xi32, #tpu.memory_space<vmem>>)
    %dma_wait3A_136 = arith.constant 1 : i32
    %dma_wait3A_137 = arith.constant 4 : i32
    %dma_wait3A_138 = arith.constant 0 : i32
    %dma_wait3A_139 = tpu.memref_slice %arg6[%dma_wait3A_137, %dma_wait3A_138] : memref<5x2000xi32, #tpu.memory_space<vmem>> -> memref<1x2000xi32, #tpu.memory_space<vmem>>
    %dma_wait3A_140 = tpu.memref_squeeze %dma_wait3A_139 : memref<1x2000xi32, #tpu.memory_space<vmem>> -> memref<2000xi32, #tpu.memory_space<vmem>>
    %dma_wait3A_141 = tpu.memref_slice %arg3[%dma_wait3A_136, %add3A_64] : memref<2x320000xi32, #tpu.memory_space<hbm>> -> memref<1x2000xi32, #tpu.memory_space<hbm>>
    %dma_wait3A_142 = tpu.memref_squeeze %dma_wait3A_141 : memref<1x2000xi32, #tpu.memory_space<hbm>> -> memref<2000xi32, #tpu.memory_space<hbm>>
    %dma_wait3A_143 = arith.constant 0 : i32
    %dma_wait3A_144 = tpu.memref_slice %arg6[%dma_wait3A_137, %dma_wait3A_143] : memref<5x2000xi32, #tpu.memory_space<vmem>> -> memref<1x2000xi32, #tpu.memory_space<vmem>>
    %dma_wait3A_145 = tpu.memref_squeeze %dma_wait3A_144 : memref<1x2000xi32, #tpu.memory_space<vmem>> -> memref<2000xi32, #tpu.memory_space<vmem>>
    %dma_wait3A_146 = tpu.memref_slice %arg3[%dma_wait3A_136, %add3A_64] : memref<2x320000xi32, #tpu.memory_space<hbm>> -> memref<1x2000xi32, #tpu.memory_space<hbm>>
    %dma_wait3A_147 = tpu.memref_squeeze %dma_wait3A_146 : memref<1x2000xi32, #tpu.memory_space<hbm>> -> memref<2000xi32, #tpu.memory_space<hbm>>
    tpu.wait_dma2 semaphore(%arg10 : memref<!tpu.dma_semaphore, #tpu.memory_space<semaphore_mem>>) src(%dma_wait3A_147 : memref<2000xi32, #tpu.memory_space<hbm>>) dst(%dma_wait3A_145 : memref<2000xi32, #tpu.memory_space<vmem>>)
    %dma_start3A_148 = arith.constant 0 : i32
    %dma_start3A_149 = arith.constant 0 : i32
    %dma_start3A_150 = arith.constant 0 : i32
    %dma_start3A_151 = tpu.memref_slice %arg7[%dma_start3A_148, %dma_start3A_149, %dma_start3A_150] : memref<2x2000x16xf32, #tpu.memory_space<vmem>> -> memref<1x2000x16xf32, #tpu.memory_space<vmem>>
    %dma_start3A_152 = tpu.memref_squeeze %dma_start3A_151 : memref<1x2000x16xf32, #tpu.memory_space<vmem>> -> memref<2000x16xf32, #tpu.memory_space<vmem>>
    %dma_start3A_153 = arith.constant 0 : i32
    %dma_start3A_154 = tpu.memref_slice %arg5[%dma_start3A_153] : memref<10000xi32, #tpu.memory_space<vmem>> -> memref<2000xi32, #tpu.memory_space<vmem>>
    %dma_start3A_155 = arith.constant 0 : i32
    %dma_start3A_156 = arith.constant 0 : i32
    %dma_start3A_157 = tpu.memref_slice %arg2[%dma_start3A_155, %dma_start3A_156] : memref<10000x16xf32, #tpu.memory_space<hbm>> -> memref<10000x16xf32, #tpu.memory_space<hbm>>
    tpu.enqueue_indirect_dma source(%dma_start3A_157 : memref<10000x16xf32, #tpu.memory_space<hbm>>) target(%dma_start3A_152 : memref<2000x16xf32, #tpu.memory_space<vmem>>) offsets(%dma_start3A_154 : memref<2000xi32, #tpu.memory_space<vmem>>) semaphore(%arg10 : memref<!tpu.dma_semaphore, #tpu.memory_space<semaphore_mem>>)
    %dma_start3A_158 = arith.constant 1 : i32
    %dma_start3A_159 = arith.constant 0 : i32
    %dma_start3A_160 = arith.constant 0 : i32
    %dma_start3A_161 = tpu.memref_slice %arg7[%dma_start3A_158, %dma_start3A_159, %dma_start3A_160] : memref<2x2000x16xf32, #tpu.memory_space<vmem>> -> memref<1x2000x16xf32, #tpu.memory_space<vmem>>
    %dma_start3A_162 = tpu.memref_squeeze %dma_start3A_161 : memref<1x2000x16xf32, #tpu.memory_space<vmem>> -> memref<2000x16xf32, #tpu.memory_space<vmem>>
    %dma_start3A_163 = arith.constant 2000 : i32
    %dma_start3A_164 = tpu.memref_slice %arg5[%dma_start3A_163] : memref<10000xi32, #tpu.memory_space<vmem>> -> memref<2000xi32, #tpu.memory_space<vmem>>
    %dma_start3A_165 = arith.constant 0 : i32
    %dma_start3A_166 = arith.constant 0 : i32
    %dma_start3A_167 = tpu.memref_slice %arg2[%dma_start3A_165, %dma_start3A_166] : memref<10000x16xf32, #tpu.memory_space<hbm>> -> memref<10000x16xf32, #tpu.memory_space<hbm>>
    tpu.enqueue_indirect_dma source(%dma_start3A_167 : memref<10000x16xf32, #tpu.memory_space<hbm>>) target(%dma_start3A_162 : memref<2000x16xf32, #tpu.memory_space<vmem>>) offsets(%dma_start3A_164 : memref<2000xi32, #tpu.memory_space<vmem>>) semaphore(%arg11 : memref<!tpu.dma_semaphore, #tpu.memory_space<semaphore_mem>>)
    %dma_wait3A_168 = arith.constant 0 : i32
    %dma_wait3A_169 = arith.constant 0 : i32
    %dma_wait3A_170 = arith.constant 0 : i32
    %dma_wait3A_171 = tpu.memref_slice %arg7[%dma_wait3A_168, %dma_wait3A_169, %dma_wait3A_170] : memref<2x2000x16xf32, #tpu.memory_space<vmem>> -> memref<1x2000x16xf32, #tpu.memory_space<vmem>>
    %dma_wait3A_172 = tpu.memref_squeeze %dma_wait3A_171 : memref<1x2000x16xf32, #tpu.memory_space<vmem>> -> memref<2000x16xf32, #tpu.memory_space<vmem>>
    %dma_wait3A_173 = arith.constant 0 : i32
    %dma_wait3A_174 = tpu.memref_slice %arg5[%dma_wait3A_173] : memref<10000xi32, #tpu.memory_space<vmem>> -> memref<2000xi32, #tpu.memory_space<vmem>>
    %dma_wait3A_175 = arith.constant 0 : i32
    %dma_wait3A_176 = arith.constant 0 : i32
    %dma_wait3A_177 = tpu.memref_slice %arg2[%dma_wait3A_175, %dma_wait3A_176] : memref<10000x16xf32, #tpu.memory_space<hbm>> -> memref<10000x16xf32, #tpu.memory_space<hbm>>
    tpu.wait_indirect_dma semaphore(%arg10 : memref<!tpu.dma_semaphore, #tpu.memory_space<semaphore_mem>>) src(%dma_wait3A_177 : memref<10000x16xf32, #tpu.memory_space<hbm>>) dst(%dma_wait3A_172 : memref<2000x16xf32, #tpu.memory_space<vmem>>)
    %barrier3A = arith.constant 0 : index
    tpu.barrier barrier_id(%barrier3A)
    %dma_start3A_178 = arith.constant 0 : i32
    %dma_start3A_179 = arith.constant 0 : i32
    %dma_start3A_180 = arith.constant 0 : i32
    %dma_start3A_181 = arith.constant 0 : i32
    %dma_start3A_182 = tpu.memref_slice %arg7[%dma_start3A_178, %dma_start3A_180, %dma_start3A_181] : memref<2x2000x16xf32, #tpu.memory_space<vmem>> -> memref<1x2000x16xf32, #tpu.memory_space<vmem>>
    %dma_start3A_183 = tpu.memref_squeeze %dma_start3A_182 : memref<1x2000x16xf32, #tpu.memory_space<vmem>> -> memref<2000x16xf32, #tpu.memory_space<vmem>>
    %dma_start3A_184 = arith.constant 0 : i32
    %dma_start3A_185 = tpu.memref_slice %arg6[%dma_start3A_179, %dma_start3A_184] : memref<5x2000xi32, #tpu.memory_space<vmem>> -> memref<1x2000xi32, #tpu.memory_space<vmem>>
    %dma_start3A_186 = tpu.memref_squeeze %dma_start3A_185 : memref<1x2000xi32, #tpu.memory_space<vmem>> -> memref<2000xi32, #tpu.memory_space<vmem>>
    %dma_start3A_187 = arith.constant 0 : i32
    %dma_start3A_188 = arith.constant 0 : i32
    %dma_start3A_189 = tpu.memref_slice %arg9[%dma_start3A_187, %dma_start3A_188] : memref<10112x16xf32, #tpu.memory_space<vmem_shared>> -> memref<10112x16xf32, #tpu.memory_space<vmem_shared>>
    tpu.enqueue_indirect_dma source(%dma_start3A_183 : memref<2000x16xf32, #tpu.memory_space<vmem>>) target(%dma_start3A_189 : memref<10112x16xf32, #tpu.memory_space<vmem_shared>>) offsets(%dma_start3A_186 : memref<2000xi32, #tpu.memory_space<vmem>>) semaphore(%arg12 : memref<!tpu.dma_semaphore, #tpu.memory_space<semaphore_mem>>) {add = true}
    %dma_wait3A_190 = arith.constant 0 : i32
    %dma_wait3A_191 = arith.constant 0 : i32
    %dma_wait3A_192 = arith.constant 0 : i32
    %dma_wait3A_193 = arith.constant 0 : i32
    %dma_wait3A_194 = tpu.memref_slice %arg7[%dma_wait3A_190, %dma_wait3A_192, %dma_wait3A_193] : memref<2x2000x16xf32, #tpu.memory_space<vmem>> -> memref<1x2000x16xf32, #tpu.memory_space<vmem>>
    %dma_wait3A_195 = tpu.memref_squeeze %dma_wait3A_194 : memref<1x2000x16xf32, #tpu.memory_space<vmem>> -> memref<2000x16xf32, #tpu.memory_space<vmem>>
    %dma_wait3A_196 = arith.constant 0 : i32
    %dma_wait3A_197 = tpu.memref_slice %arg6[%dma_wait3A_191, %dma_wait3A_196] : memref<5x2000xi32, #tpu.memory_space<vmem>> -> memref<1x2000xi32, #tpu.memory_space<vmem>>
    %dma_wait3A_198 = tpu.memref_squeeze %dma_wait3A_197 : memref<1x2000xi32, #tpu.memory_space<vmem>> -> memref<2000xi32, #tpu.memory_space<vmem>>
    %dma_wait3A_199 = arith.constant 0 : i32
    %dma_wait3A_200 = arith.constant 0 : i32
    %dma_wait3A_201 = tpu.memref_slice %arg9[%dma_wait3A_199, %dma_wait3A_200] : memref<10112x16xf32, #tpu.memory_space<vmem_shared>> -> memref<10112x16xf32, #tpu.memory_space<vmem_shared>>
    tpu.wait_indirect_dma semaphore(%arg12 : memref<!tpu.dma_semaphore, #tpu.memory_space<semaphore_mem>>) src(%dma_wait3A_195 : memref<2000x16xf32, #tpu.memory_space<vmem>>) dst(%dma_wait3A_201 : memref<10112x16xf32, #tpu.memory_space<vmem_shared>>)
    %dma_start3A_202 = arith.constant 0 : i32
    %dma_start3A_203 = arith.constant 0 : i32
    %dma_start3A_204 = arith.constant 0 : i32
    %dma_start3A_205 = tpu.memref_slice %arg7[%dma_start3A_202, %dma_start3A_203, %dma_start3A_204] : memref<2x2000x16xf32, #tpu.memory_space<vmem>> -> memref<1x2000x16xf32, #tpu.memory_space<vmem>>
    %dma_start3A_206 = tpu.memref_squeeze %dma_start3A_205 : memref<1x2000x16xf32, #tpu.memory_space<vmem>> -> memref<2000x16xf32, #tpu.memory_space<vmem>>
    %dma_start3A_207 = arith.constant 4000 : i32
    %dma_start3A_208 = tpu.memref_slice %arg5[%dma_start3A_207] : memref<10000xi32, #tpu.memory_space<vmem>> -> memref<2000xi32, #tpu.memory_space<vmem>>
    %dma_start3A_209 = arith.constant 0 : i32
    %dma_start3A_210 = arith.constant 0 : i32
    %dma_start3A_211 = tpu.memref_slice %arg2[%dma_start3A_209, %dma_start3A_210] : memref<10000x16xf32, #tpu.memory_space<hbm>> -> memref<10000x16xf32, #tpu.memory_space<hbm>>
    tpu.enqueue_indirect_dma source(%dma_start3A_211 : memref<10000x16xf32, #tpu.memory_space<hbm>>) target(%dma_start3A_206 : memref<2000x16xf32, #tpu.memory_space<vmem>>) offsets(%dma_start3A_208 : memref<2000xi32, #tpu.memory_space<vmem>>) semaphore(%arg10 : memref<!tpu.dma_semaphore, #tpu.memory_space<semaphore_mem>>)
    %dma_wait3A_212 = arith.constant 1 : i32
    %dma_wait3A_213 = arith.constant 0 : i32
    %dma_wait3A_214 = arith.constant 0 : i32
    %dma_wait3A_215 = tpu.memref_slice %arg7[%dma_wait3A_212, %dma_wait3A_213, %dma_wait3A_214] : memref<2x2000x16xf32, #tpu.memory_space<vmem>> -> memref<1x2000x16xf32, #tpu.memory_space<vmem>>
    %dma_wait3A_216 = tpu.memref_squeeze %dma_wait3A_215 : memref<1x2000x16xf32, #tpu.memory_space<vmem>> -> memref<2000x16xf32, #tpu.memory_space<vmem>>
    %dma_wait3A_217 = arith.constant 2000 : i32
    %dma_wait3A_218 = tpu.memref_slice %arg5[%dma_wait3A_217] : memref<10000xi32, #tpu.memory_space<vmem>> -> memref<2000xi32, #tpu.memory_space<vmem>>
    %dma_wait3A_219 = arith.constant 0 : i32
    %dma_wait3A_220 = arith.constant 0 : i32
    %dma_wait3A_221 = tpu.memref_slice %arg2[%dma_wait3A_219, %dma_wait3A_220] : memref<10000x16xf32, #tpu.memory_space<hbm>> -> memref<10000x16xf32, #tpu.memory_space<hbm>>
    tpu.wait_indirect_dma semaphore(%arg11 : memref<!tpu.dma_semaphore, #tpu.memory_space<semaphore_mem>>) src(%dma_wait3A_221 : memref<10000x16xf32, #tpu.memory_space<hbm>>) dst(%dma_wait3A_216 : memref<2000x16xf32, #tpu.memory_space<vmem>>)
    %dma_start3A_222 = arith.constant 1 : i32
    %dma_start3A_223 = arith.constant 1 : i32
    %dma_start3A_224 = arith.constant 0 : i32
    %dma_start3A_225 = arith.constant 0 : i32
    %dma_start3A_226 = tpu.memref_slice %arg7[%dma_start3A_222, %dma_start3A_224, %dma_start3A_225] : memref<2x2000x16xf32, #tpu.memory_space<vmem>> -> memref<1x2000x16xf32, #tpu.memory_space<vmem>>
    %dma_start3A_227 = tpu.memref_squeeze %dma_start3A_226 : memref<1x2000x16xf32, #tpu.memory_space<vmem>> -> memref<2000x16xf32, #tpu.memory_space<vmem>>
    %dma_start3A_228 = arith.constant 0 : i32
    %dma_start3A_229 = tpu.memref_slice %arg6[%dma_start3A_223, %dma_start3A_228] : memref<5x2000xi32, #tpu.memory_space<vmem>> -> memref<1x2000xi32, #tpu.memory_space<vmem>>
    %dma_start3A_230 = tpu.memref_squeeze %dma_start3A_229 : memref<1x2000xi32, #tpu.memory_space<vmem>> -> memref<2000xi32, #tpu.memory_space<vmem>>
    %dma_start3A_231 = arith.constant 0 : i32
    %dma_start3A_232 = arith.constant 0 : i32
    %dma_start3A_233 = tpu.memref_slice %arg9[%dma_start3A_231, %dma_start3A_232] : memref<10112x16xf32, #tpu.memory_space<vmem_shared>> -> memref<10112x16xf32, #tpu.memory_space<vmem_shared>>
    tpu.enqueue_indirect_dma source(%dma_start3A_227 : memref<2000x16xf32, #tpu.memory_space<vmem>>) target(%dma_start3A_233 : memref<10112x16xf32, #tpu.memory_space<vmem_shared>>) offsets(%dma_start3A_230 : memref<2000xi32, #tpu.memory_space<vmem>>) semaphore(%arg13 : memref<!tpu.dma_semaphore, #tpu.memory_space<semaphore_mem>>) {add = true}
    %dma_wait3A_234 = arith.constant 1 : i32
    %dma_wait3A_235 = arith.constant 1 : i32
    %dma_wait3A_236 = arith.constant 0 : i32
    %dma_wait3A_237 = arith.constant 0 : i32
    %dma_wait3A_238 = tpu.memref_slice %arg7[%dma_wait3A_234, %dma_wait3A_236, %dma_wait3A_237] : memref<2x2000x16xf32, #tpu.memory_space<vmem>> -> memref<1x2000x16xf32, #tpu.memory_space<vmem>>
    %dma_wait3A_239 = tpu.memref_squeeze %dma_wait3A_238 : memref<1x2000x16xf32, #tpu.memory_space<vmem>> -> memref<2000x16xf32, #tpu.memory_space<vmem>>
    %dma_wait3A_240 = arith.constant 0 : i32
    %dma_wait3A_241 = tpu.memref_slice %arg6[%dma_wait3A_235, %dma_wait3A_240] : memref<5x2000xi32, #tpu.memory_space<vmem>> -> memref<1x2000xi32, #tpu.memory_space<vmem>>
    %dma_wait3A_242 = tpu.memref_squeeze %dma_wait3A_241 : memref<1x2000xi32, #tpu.memory_space<vmem>> -> memref<2000xi32, #tpu.memory_space<vmem>>
    %dma_wait3A_243 = arith.constant 0 : i32
    %dma_wait3A_244 = arith.constant 0 : i32
    %dma_wait3A_245 = tpu.memref_slice %arg9[%dma_wait3A_243, %dma_wait3A_244] : memref<10112x16xf32, #tpu.memory_space<vmem_shared>> -> memref<10112x16xf32, #tpu.memory_space<vmem_shared>>
    tpu.wait_indirect_dma semaphore(%arg13 : memref<!tpu.dma_semaphore, #tpu.memory_space<semaphore_mem>>) src(%dma_wait3A_239 : memref<2000x16xf32, #tpu.memory_space<vmem>>) dst(%dma_wait3A_245 : memref<10112x16xf32, #tpu.memory_space<vmem_shared>>)
    %dma_start3A_246 = arith.constant 1 : i32
    %dma_start3A_247 = arith.constant 0 : i32
    %dma_start3A_248 = arith.constant 0 : i32
    %dma_start3A_249 = tpu.memref_slice %arg7[%dma_start3A_246, %dma_start3A_247, %dma_start3A_248] : memref<2x2000x16xf32, #tpu.memory_space<vmem>> -> memref<1x2000x16xf32, #tpu.memory_space<vmem>>
    %dma_start3A_250 = tpu.memref_squeeze %dma_start3A_249 : memref<1x2000x16xf32, #tpu.memory_space<vmem>> -> memref<2000x16xf32, #tpu.memory_space<vmem>>
    %dma_start3A_251 = arith.constant 6000 : i32
    %dma_start3A_252 = tpu.memref_slice %arg5[%dma_start3A_251] : memref<10000xi32, #tpu.memory_space<vmem>> -> memref<2000xi32, #tpu.memory_space<vmem>>
    %dma_start3A_253 = arith.constant 0 : i32
    %dma_start3A_254 = arith.constant 0 : i32
    %dma_start3A_255 = tpu.memref_slice %arg2[%dma_start3A_253, %dma_start3A_254] : memref<10000x16xf32, #tpu.memory_space<hbm>> -> memref<10000x16xf32, #tpu.memory_space<hbm>>
    tpu.enqueue_indirect_dma source(%dma_start3A_255 : memref<10000x16xf32, #tpu.memory_space<hbm>>) target(%dma_start3A_250 : memref<2000x16xf32, #tpu.memory_space<vmem>>) offsets(%dma_start3A_252 : memref<2000xi32, #tpu.memory_space<vmem>>) semaphore(%arg11 : memref<!tpu.dma_semaphore, #tpu.memory_space<semaphore_mem>>)
    %dma_wait3A_256 = arith.constant 0 : i32
    %dma_wait3A_257 = arith.constant 0 : i32
    %dma_wait3A_258 = arith.constant 0 : i32
    %dma_wait3A_259 = tpu.memref_slice %arg7[%dma_wait3A_256, %dma_wait3A_257, %dma_wait3A_258] : memref<2x2000x16xf32, #tpu.memory_space<vmem>> -> memref<1x2000x16xf32, #tpu.memory_space<vmem>>
    %dma_wait3A_260 = tpu.memref_squeeze %dma_wait3A_259 : memref<1x2000x16xf32, #tpu.memory_space<vmem>> -> memref<2000x16xf32, #tpu.memory_space<vmem>>
    %dma_wait3A_261 = arith.constant 4000 : i32
    %dma_wait3A_262 = tpu.memref_slice %arg5[%dma_wait3A_261] : memref<10000xi32, #tpu.memory_space<vmem>> -> memref<2000xi32, #tpu.memory_space<vmem>>
    %dma_wait3A_263 = arith.constant 0 : i32
    %dma_wait3A_264 = arith.constant 0 : i32
    %dma_wait3A_265 = tpu.memref_slice %arg2[%dma_wait3A_263, %dma_wait3A_264] : memref<10000x16xf32, #tpu.memory_space<hbm>> -> memref<10000x16xf32, #tpu.memory_space<hbm>>
    tpu.wait_indirect_dma semaphore(%arg10 : memref<!tpu.dma_semaphore, #tpu.memory_space<semaphore_mem>>) src(%dma_wait3A_265 : memref<10000x16xf32, #tpu.memory_space<hbm>>) dst(%dma_wait3A_260 : memref<2000x16xf32, #tpu.memory_space<vmem>>)
    %dma_start3A_266 = arith.constant 0 : i32
    %dma_start3A_267 = arith.constant 2 : i32
    %dma_start3A_268 = arith.constant 0 : i32
    %dma_start3A_269 = arith.constant 0 : i32
    %dma_start3A_270 = tpu.memref_slice %arg7[%dma_start3A_266, %dma_start3A_268, %dma_start3A_269] : memref<2x2000x16xf32, #tpu.memory_space<vmem>> -> memref<1x2000x16xf32, #tpu.memory_space<vmem>>
    %dma_start3A_271 = tpu.memref_squeeze %dma_start3A_270 : memref<1x2000x16xf32, #tpu.memory_space<vmem>> -> memref<2000x16xf32, #tpu.memory_space<vmem>>
    %dma_start3A_272 = arith.constant 0 : i32
    %dma_start3A_273 = tpu.memref_slice %arg6[%dma_start3A_267, %dma_start3A_272] : memref<5x2000xi32, #tpu.memory_space<vmem>> -> memref<1x2000xi32, #tpu.memory_space<vmem>>
    %dma_start3A_274 = tpu.memref_squeeze %dma_start3A_273 : memref<1x2000xi32, #tpu.memory_space<vmem>> -> memref<2000xi32, #tpu.memory_space<vmem>>
    %dma_start3A_275 = arith.constant 0 : i32
    %dma_start3A_276 = arith.constant 0 : i32
    %dma_start3A_277 = tpu.memref_slice %arg9[%dma_start3A_275, %dma_start3A_276] : memref<10112x16xf32, #tpu.memory_space<vmem_shared>> -> memref<10112x16xf32, #tpu.memory_space<vmem_shared>>
    tpu.enqueue_indirect_dma source(%dma_start3A_271 : memref<2000x16xf32, #tpu.memory_space<vmem>>) target(%dma_start3A_277 : memref<10112x16xf32, #tpu.memory_space<vmem_shared>>) offsets(%dma_start3A_274 : memref<2000xi32, #tpu.memory_space<vmem>>) semaphore(%arg12 : memref<!tpu.dma_semaphore, #tpu.memory_space<semaphore_mem>>) {add = true}
    %dma_wait3A_278 = arith.constant 0 : i32
    %dma_wait3A_279 = arith.constant 2 : i32
    %dma_wait3A_280 = arith.constant 0 : i32
    %dma_wait3A_281 = arith.constant 0 : i32
    %dma_wait3A_282 = tpu.memref_slice %arg7[%dma_wait3A_278, %dma_wait3A_280, %dma_wait3A_281] : memref<2x2000x16xf32, #tpu.memory_space<vmem>> -> memref<1x2000x16xf32, #tpu.memory_space<vmem>>
    %dma_wait3A_283 = tpu.memref_squeeze %dma_wait3A_282 : memref<1x2000x16xf32, #tpu.memory_space<vmem>> -> memref<2000x16xf32, #tpu.memory_space<vmem>>
    %dma_wait3A_284 = arith.constant 0 : i32
    %dma_wait3A_285 = tpu.memref_slice %arg6[%dma_wait3A_279, %dma_wait3A_284] : memref<5x2000xi32, #tpu.memory_space<vmem>> -> memref<1x2000xi32, #tpu.memory_space<vmem>>
    %dma_wait3A_286 = tpu.memref_squeeze %dma_wait3A_285 : memref<1x2000xi32, #tpu.memory_space<vmem>> -> memref<2000xi32, #tpu.memory_space<vmem>>
    %dma_wait3A_287 = arith.constant 0 : i32
    %dma_wait3A_288 = arith.constant 0 : i32
    %dma_wait3A_289 = tpu.memref_slice %arg9[%dma_wait3A_287, %dma_wait3A_288] : memref<10112x16xf32, #tpu.memory_space<vmem_shared>> -> memref<10112x16xf32, #tpu.memory_space<vmem_shared>>
    tpu.wait_indirect_dma semaphore(%arg12 : memref<!tpu.dma_semaphore, #tpu.memory_space<semaphore_mem>>) src(%dma_wait3A_283 : memref<2000x16xf32, #tpu.memory_space<vmem>>) dst(%dma_wait3A_289 : memref<10112x16xf32, #tpu.memory_space<vmem_shared>>)
    %dma_start3A_290 = arith.constant 0 : i32
    %dma_start3A_291 = arith.constant 0 : i32
    %dma_start3A_292 = arith.constant 0 : i32
    %dma_start3A_293 = tpu.memref_slice %arg7[%dma_start3A_290, %dma_start3A_291, %dma_start3A_292] : memref<2x2000x16xf32, #tpu.memory_space<vmem>> -> memref<1x2000x16xf32, #tpu.memory_space<vmem>>
    %dma_start3A_294 = tpu.memref_squeeze %dma_start3A_293 : memref<1x2000x16xf32, #tpu.memory_space<vmem>> -> memref<2000x16xf32, #tpu.memory_space<vmem>>
    %dma_start3A_295 = arith.constant 8000 : i32
    %dma_start3A_296 = tpu.memref_slice %arg5[%dma_start3A_295] : memref<10000xi32, #tpu.memory_space<vmem>> -> memref<2000xi32, #tpu.memory_space<vmem>>
    %dma_start3A_297 = arith.constant 0 : i32
    %dma_start3A_298 = arith.constant 0 : i32
    %dma_start3A_299 = tpu.memref_slice %arg2[%dma_start3A_297, %dma_start3A_298] : memref<10000x16xf32, #tpu.memory_space<hbm>> -> memref<10000x16xf32, #tpu.memory_space<hbm>>
    tpu.enqueue_indirect_dma source(%dma_start3A_299 : memref<10000x16xf32, #tpu.memory_space<hbm>>) target(%dma_start3A_294 : memref<2000x16xf32, #tpu.memory_space<vmem>>) offsets(%dma_start3A_296 : memref<2000xi32, #tpu.memory_space<vmem>>) semaphore(%arg10 : memref<!tpu.dma_semaphore, #tpu.memory_space<semaphore_mem>>)
    %dma_wait3A_300 = arith.constant 1 : i32
    %dma_wait3A_301 = arith.constant 0 : i32
    %dma_wait3A_302 = arith.constant 0 : i32
    %dma_wait3A_303 = tpu.memref_slice %arg7[%dma_wait3A_300, %dma_wait3A_301, %dma_wait3A_302] : memref<2x2000x16xf32, #tpu.memory_space<vmem>> -> memref<1x2000x16xf32, #tpu.memory_space<vmem>>
    %dma_wait3A_304 = tpu.memref_squeeze %dma_wait3A_303 : memref<1x2000x16xf32, #tpu.memory_space<vmem>> -> memref<2000x16xf32, #tpu.memory_space<vmem>>
    %dma_wait3A_305 = arith.constant 6000 : i32
    %dma_wait3A_306 = tpu.memref_slice %arg5[%dma_wait3A_305] : memref<10000xi32, #tpu.memory_space<vmem>> -> memref<2000xi32, #tpu.memory_space<vmem>>
    %dma_wait3A_307 = arith.constant 0 : i32
    %dma_wait3A_308 = arith.constant 0 : i32
    %dma_wait3A_309 = tpu.memref_slice %arg2[%dma_wait3A_307, %dma_wait3A_308] : memref<10000x16xf32, #tpu.memory_space<hbm>> -> memref<10000x16xf32, #tpu.memory_space<hbm>>
    tpu.wait_indirect_dma semaphore(%arg11 : memref<!tpu.dma_semaphore, #tpu.memory_space<semaphore_mem>>) src(%dma_wait3A_309 : memref<10000x16xf32, #tpu.memory_space<hbm>>) dst(%dma_wait3A_304 : memref<2000x16xf32, #tpu.memory_space<vmem>>)
    %dma_start3A_310 = arith.constant 1 : i32
    %dma_start3A_311 = arith.constant 3 : i32
    %dma_start3A_312 = arith.constant 0 : i32
    %dma_start3A_313 = arith.constant 0 : i32
    %dma_start3A_314 = tpu.memref_slice %arg7[%dma_start3A_310, %dma_start3A_312, %dma_start3A_313] : memref<2x2000x16xf32, #tpu.memory_space<vmem>> -> memref<1x2000x16xf32, #tpu.memory_space<vmem>>
    %dma_start3A_315 = tpu.memref_squeeze %dma_start3A_314 : memref<1x2000x16xf32, #tpu.memory_space<vmem>> -> memref<2000x16xf32, #tpu.memory_space<vmem>>
    %dma_start3A_316 = arith.constant 0 : i32
    %dma_start3A_317 = tpu.memref_slice %arg6[%dma_start3A_311, %dma_start3A_316] : memref<5x2000xi32, #tpu.memory_space<vmem>> -> memref<1x2000xi32, #tpu.memory_space<vmem>>
    %dma_start3A_318 = tpu.memref_squeeze %dma_start3A_317 : memref<1x2000xi32, #tpu.memory_space<vmem>> -> memref<2000xi32, #tpu.memory_space<vmem>>
    %dma_start3A_319 = arith.constant 0 : i32
    %dma_start3A_320 = arith.constant 0 : i32
    %dma_start3A_321 = tpu.memref_slice %arg9[%dma_start3A_319, %dma_start3A_320] : memref<10112x16xf32, #tpu.memory_space<vmem_shared>> -> memref<10112x16xf32, #tpu.memory_space<vmem_shared>>
    tpu.enqueue_indirect_dma source(%dma_start3A_315 : memref<2000x16xf32, #tpu.memory_space<vmem>>) target(%dma_start3A_321 : memref<10112x16xf32, #tpu.memory_space<vmem_shared>>) offsets(%dma_start3A_318 : memref<2000xi32, #tpu.memory_space<vmem>>) semaphore(%arg13 : memref<!tpu.dma_semaphore, #tpu.memory_space<semaphore_mem>>) {add = true}
    %dma_wait3A_322 = arith.constant 0 : i32
    %dma_wait3A_323 = arith.constant 0 : i32
    %dma_wait3A_324 = arith.constant 0 : i32
    %dma_wait3A_325 = tpu.memref_slice %arg7[%dma_wait3A_322, %dma_wait3A_323, %dma_wait3A_324] : memref<2x2000x16xf32, #tpu.memory_space<vmem>> -> memref<1x2000x16xf32, #tpu.memory_space<vmem>>
    %dma_wait3A_326 = tpu.memref_squeeze %dma_wait3A_325 : memref<1x2000x16xf32, #tpu.memory_space<vmem>> -> memref<2000x16xf32, #tpu.memory_space<vmem>>
    %dma_wait3A_327 = arith.constant 8000 : i32
    %dma_wait3A_328 = tpu.memref_slice %arg5[%dma_wait3A_327] : memref<10000xi32, #tpu.memory_space<vmem>> -> memref<2000xi32, #tpu.memory_space<vmem>>
    %dma_wait3A_329 = arith.constant 0 : i32
    %dma_wait3A_330 = arith.constant 0 : i32
    %dma_wait3A_331 = tpu.memref_slice %arg2[%dma_wait3A_329, %dma_wait3A_330] : memref<10000x16xf32, #tpu.memory_space<hbm>> -> memref<10000x16xf32, #tpu.memory_space<hbm>>
    tpu.wait_indirect_dma semaphore(%arg10 : memref<!tpu.dma_semaphore, #tpu.memory_space<semaphore_mem>>) src(%dma_wait3A_331 : memref<10000x16xf32, #tpu.memory_space<hbm>>) dst(%dma_wait3A_326 : memref<2000x16xf32, #tpu.memory_space<vmem>>)
    %dma_start3A_332 = arith.constant 0 : i32
    %dma_start3A_333 = arith.constant 4 : i32
    %dma_start3A_334 = arith.constant 0 : i32
    %dma_start3A_335 = arith.constant 0 : i32
    %dma_start3A_336 = tpu.memref_slice %arg7[%dma_start3A_332, %dma_start3A_334, %dma_start3A_335] : memref<2x2000x16xf32, #tpu.memory_space<vmem>> -> memref<1x2000x16xf32, #tpu.memory_space<vmem>>
    %dma_start3A_337 = tpu.memref_squeeze %dma_start3A_336 : memref<1x2000x16xf32, #tpu.memory_space<vmem>> -> memref<2000x16xf32, #tpu.memory_space<vmem>>
    %dma_start3A_338 = arith.constant 0 : i32
    %dma_start3A_339 = tpu.memref_slice %arg6[%dma_start3A_333, %dma_start3A_338] : memref<5x2000xi32, #tpu.memory_space<vmem>> -> memref<1x2000xi32, #tpu.memory_space<vmem>>
    %dma_start3A_340 = tpu.memref_squeeze %dma_start3A_339 : memref<1x2000xi32, #tpu.memory_space<vmem>> -> memref<2000xi32, #tpu.memory_space<vmem>>
    %dma_start3A_341 = arith.constant 0 : i32
    %dma_start3A_342 = arith.constant 0 : i32
    %dma_start3A_343 = tpu.memref_slice %arg9[%dma_start3A_341, %dma_start3A_342] : memref<10112x16xf32, #tpu.memory_space<vmem_shared>> -> memref<10112x16xf32, #tpu.memory_space<vmem_shared>>
    tpu.enqueue_indirect_dma source(%dma_start3A_337 : memref<2000x16xf32, #tpu.memory_space<vmem>>) target(%dma_start3A_343 : memref<10112x16xf32, #tpu.memory_space<vmem_shared>>) offsets(%dma_start3A_340 : memref<2000xi32, #tpu.memory_space<vmem>>) semaphore(%arg12 : memref<!tpu.dma_semaphore, #tpu.memory_space<semaphore_mem>>) {add = true}
    %dma_wait3A_344 = arith.constant 0 : i32
    %dma_wait3A_345 = arith.constant 4 : i32
    %dma_wait3A_346 = arith.constant 0 : i32
    %dma_wait3A_347 = arith.constant 0 : i32
    %dma_wait3A_348 = tpu.memref_slice %arg7[%dma_wait3A_344, %dma_wait3A_346, %dma_wait3A_347] : memref<2x2000x16xf32, #tpu.memory_space<vmem>> -> memref<1x2000x16xf32, #tpu.memory_space<vmem>>
    %dma_wait3A_349 = tpu.memref_squeeze %dma_wait3A_348 : memref<1x2000x16xf32, #tpu.memory_space<vmem>> -> memref<2000x16xf32, #tpu.memory_space<vmem>>
    %dma_wait3A_350 = arith.constant 0 : i32
    %dma_wait3A_351 = tpu.memref_slice %arg6[%dma_wait3A_345, %dma_wait3A_350] : memref<5x2000xi32, #tpu.memory_space<vmem>> -> memref<1x2000xi32, #tpu.memory_space<vmem>>
    %dma_wait3A_352 = tpu.memref_squeeze %dma_wait3A_351 : memref<1x2000xi32, #tpu.memory_space<vmem>> -> memref<2000xi32, #tpu.memory_space<vmem>>
    %dma_wait3A_353 = arith.constant 0 : i32
    %dma_wait3A_354 = arith.constant 0 : i32
    %dma_wait3A_355 = tpu.memref_slice %arg9[%dma_wait3A_353, %dma_wait3A_354] : memref<10112x16xf32, #tpu.memory_space<vmem_shared>> -> memref<10112x16xf32, #tpu.memory_space<vmem_shared>>
    tpu.wait_indirect_dma semaphore(%arg12 : memref<!tpu.dma_semaphore, #tpu.memory_space<semaphore_mem>>) src(%dma_wait3A_349 : memref<2000x16xf32, #tpu.memory_space<vmem>>) dst(%dma_wait3A_355 : memref<10112x16xf32, #tpu.memory_space<vmem_shared>>)
    %dma_wait3A_356 = arith.constant 1 : i32
    %dma_wait3A_357 = arith.constant 3 : i32
    %dma_wait3A_358 = arith.constant 0 : i32
    %dma_wait3A_359 = arith.constant 0 : i32
    %dma_wait3A_360 = tpu.memref_slice %arg7[%dma_wait3A_356, %dma_wait3A_358, %dma_wait3A_359] : memref<2x2000x16xf32, #tpu.memory_space<vmem>> -> memref<1x2000x16xf32, #tpu.memory_space<vmem>>
    %dma_wait3A_361 = tpu.memref_squeeze %dma_wait3A_360 : memref<1x2000x16xf32, #tpu.memory_space<vmem>> -> memref<2000x16xf32, #tpu.memory_space<vmem>>
    %dma_wait3A_362 = arith.constant 0 : i32
    %dma_wait3A_363 = tpu.memref_slice %arg6[%dma_wait3A_357, %dma_wait3A_362] : memref<5x2000xi32, #tpu.memory_space<vmem>> -> memref<1x2000xi32, #tpu.memory_space<vmem>>
    %dma_wait3A_364 = tpu.memref_squeeze %dma_wait3A_363 : memref<1x2000xi32, #tpu.memory_space<vmem>> -> memref<2000xi32, #tpu.memory_space<vmem>>
    %dma_wait3A_365 = arith.constant 0 : i32
    %dma_wait3A_366 = arith.constant 0 : i32
    %dma_wait3A_367 = tpu.memref_slice %arg9[%dma_wait3A_365, %dma_wait3A_366] : memref<10112x16xf32, #tpu.memory_space<vmem_shared>> -> memref<10112x16xf32, #tpu.memory_space<vmem_shared>>
    tpu.wait_indirect_dma semaphore(%arg13 : memref<!tpu.dma_semaphore, #tpu.memory_space<semaphore_mem>>) src(%dma_wait3A_361 : memref<2000x16xf32, #tpu.memory_space<vmem>>) dst(%dma_wait3A_367 : memref<10112x16xf32, #tpu.memory_space<vmem_shared>>)
    %barrier3A_368 = arith.constant 0 : index
    tpu.barrier barrier_id(%barrier3A_368)
    %mul3A_369 = arith.constant 632 : i32
    %mul3A_370 = arith.muli %arg1, %mul3A_369 : i32
    %mul3A_371 = arith.constant 632 : i32
    %mul3A_372 = arith.muli %arg1, %mul3A_371 : i32
    "tpu.region"() ({
      %run_scoped3A = tpu.sem_alloc : memref<!tpu.dma_semaphore, #tpu.memory_space<semaphore_mem>>
      %dma_start3A_373 = arith.constant 0 : i32
      %dma_start3A_374 = tpu.memref_slice %arg4[%arg0, %mul3A_372, %dma_start3A_373] : memref<2x10112x16xf32, #tpu.memory_space<hbm>> -> memref<1x632x16xf32, #tpu.memory_space<hbm>>
      %dma_start3A_375 = tpu.memref_squeeze %dma_start3A_374 : memref<1x632x16xf32, #tpu.memory_space<hbm>> -> memref<632x16xf32, #tpu.memory_space<hbm>>
      %dma_start3A_376 = arith.constant 0 : i32
      %dma_start3A_377 = tpu.memref_slice %arg9[%mul3A_370, %dma_start3A_376] : memref<10112x16xf32, #tpu.memory_space<vmem_shared>> -> memref<632x16xf32, #tpu.memory_space<vmem_shared>>
      tpu.enqueue_dma source(%dma_start3A_377 : memref<632x16xf32, #tpu.memory_space<vmem_shared>>) target(%dma_start3A_375 : memref<632x16xf32, #tpu.memory_space<hbm>>) target_semaphore(%run_scoped3A : memref<!tpu.dma_semaphore, #tpu.memory_space<semaphore_mem>>)
      %dma_wait3A_378 = arith.constant 0 : i32
      %dma_wait3A_379 = tpu.memref_slice %arg4[%arg0, %mul3A_372, %dma_wait3A_378] : memref<2x10112x16xf32, #tpu.memory_space<hbm>> -> memref<1x632x16xf32, #tpu.memory_space<hbm>>
      %dma_wait3A_380 = tpu.memref_squeeze %dma_wait3A_379 : memref<1x632x16xf32, #tpu.memory_space<hbm>> -> memref<632x16xf32, #tpu.memory_space<hbm>>
      %dma_wait3A_381 = arith.constant 0 : i32
      %dma_wait3A_382 = tpu.memref_slice %arg9[%mul3A_370, %dma_wait3A_381] : memref<10112x16xf32, #tpu.memory_space<vmem_shared>> -> memref<632x16xf32, #tpu.memory_space<vmem_shared>>
      tpu.wait_dma2 semaphore(%run_scoped3A : memref<!tpu.dma_semaphore, #tpu.memory_space<semaphore_mem>>) src(%dma_wait3A_382 : memref<632x16xf32, #tpu.memory_space<vmem_shared>>) dst(%dma_wait3A_380 : memref<632x16xf32, #tpu.memory_space<hbm>>)
      tpu.yield
    }) : () -> ()
    return
  }
}

module attributes {stable_mosaic.version = 14 : i64} {
  func.func @_prep_body(%arg0: i32, %arg1: memref<2000x128xf32, #tpu.memory_space<vmem>>, %arg2: memref<128x16xf32, #tpu.memory_space<vmem>>, %arg3: memref<1x16xf32, #tpu.memory_space<vmem>>, %arg4: memref<16x8xf32, #tpu.memory_space<vmem>>, %arg5: memref<1x8xf32, #tpu.memory_space<vmem>>, %arg6: memref<8x128xf32, #tpu.memory_space<vmem>>, %arg7: memref<1x128xf32, #tpu.memory_space<vmem>>, %arg8: memref<128x16xf32, #tpu.memory_space<vmem>>, %arg9: memref<1x16xf32, #tpu.memory_space<vmem>>, %arg10: memref<16x8xf32, #tpu.memory_space<vmem>>, %arg11: memref<1x8xf32, #tpu.memory_space<vmem>>, %arg12: memref<8x16xf32, #tpu.memory_space<vmem>>, %arg13: memref<1x16xf32, #tpu.memory_space<vmem>>, %arg14: memref<2000x128xf32, #tpu.memory_space<vmem>>, %arg15: memref<2000x16xf32, #tpu.memory_space<vmem>>) attributes {dimension_semantics = [#tpu.dimension_semantics<arbitrary>], iteration_bounds = array<i64: 5>, scalar_prefetch = 0 : i64, scratch_operands = 0 : i64, tpu.core_type = #tpu.core_type<tc>, window_params = [{transform_indices = @transform_0, window_bounds = array<i64: 2000, 128>}, {pipeline_mode = #tpu.pipeline_mode<synchronous>, transform_indices = @transform_1, window_bounds = array<i64: 128, 16>}, {pipeline_mode = #tpu.pipeline_mode<synchronous>, transform_indices = @transform_2, window_bounds = array<i64: 1, 16>}, {pipeline_mode = #tpu.pipeline_mode<synchronous>, transform_indices = @transform_3, window_bounds = array<i64: 16, 8>}, {pipeline_mode = #tpu.pipeline_mode<synchronous>, transform_indices = @transform_4, window_bounds = array<i64: 1, 8>}, {pipeline_mode = #tpu.pipeline_mode<synchronous>, transform_indices = @transform_5, window_bounds = array<i64: 8, 128>}, {pipeline_mode = #tpu.pipeline_mode<synchronous>, transform_indices = @transform_6, window_bounds = array<i64: 1, 128>}, {pipeline_mode = #tpu.pipeline_mode<synchronous>, transform_indices = @transform_7, window_bounds = array<i64: 128, 16>}, {pipeline_mode = #tpu.pipeline_mode<synchronous>, transform_indices = @transform_8, window_bounds = array<i64: 1, 16>}, {pipeline_mode = #tpu.pipeline_mode<synchronous>, transform_indices = @transform_9, window_bounds = array<i64: 16, 8>}, {pipeline_mode = #tpu.pipeline_mode<synchronous>, transform_indices = @transform_10, window_bounds = array<i64: 1, 8>}, {pipeline_mode = #tpu.pipeline_mode<synchronous>, transform_indices = @transform_11, window_bounds = array<i64: 8, 16>}, {pipeline_mode = #tpu.pipeline_mode<synchronous>, transform_indices = @transform_12, window_bounds = array<i64: 1, 16>}, {transform_indices = @transform_13, window_bounds = array<i64: 2000, 128>}, {transform_indices = @transform_14, window_bounds = array<i64: 2000, 16>}]} {
    %get3A = arith.constant 0 : index
    %get3A_0 = arith.constant 0 : index
    %get3A_1 = vector.load %arg1[%get3A, %get3A_0] : memref<2000x128xf32, #tpu.memory_space<vmem>>, vector<2000x128xf32>
    %get3A_2 = arith.constant 0 : index
    %get3A_3 = arith.constant 0 : index
    %get3A_4 = vector.load %arg2[%get3A_2, %get3A_3] : memref<128x16xf32, #tpu.memory_space<vmem>>, vector<128x16xf32>
    %dot_general3A = arith.constant dense<0.000000e+00> : vector<2000x16xf32>
    %dot_general3A_5 = tpu.matmul %get3A_1, %get3A_4, %dot_general3A {dimension_numbers = #tpu.dot_dimension_numbers<[1], [0], [0], [1], [0, 0, 1, 1], [], []>, transpose_lhs_hint = false} : vector<2000x128xf32>, vector<128x16xf32>, vector<2000x16xf32> -> vector<2000x16xf32>
    %get3A_6 = arith.constant 0 : index
    %get3A_7 = arith.constant 0 : index
    %get3A_8 = vector.load %arg3[%get3A_6, %get3A_7] : memref<1x16xf32, #tpu.memory_space<vmem>>, vector<1x16xf32>
    %add3A = vector.broadcast %get3A_8 : vector<1x16xf32> to vector<2000x16xf32>
    %add3A_9 = arith.addf %dot_general3A_5, %add3A : vector<2000x16xf32>
    %max3A = arith.constant 0.000000e+00 : f32
    %max3A_10 = vector.broadcast %max3A : f32 to vector<2000x16xf32>
    %max3A_11 = arith.maximumf %add3A_9, %max3A_10 : vector<2000x16xf32>
    %get3A_12 = arith.constant 0 : index
    %get3A_13 = arith.constant 0 : index
    %get3A_14 = vector.load %arg4[%get3A_12, %get3A_13] : memref<16x8xf32, #tpu.memory_space<vmem>>, vector<16x8xf32>
    %dot_general3A_15 = arith.constant dense<0.000000e+00> : vector<2000x8xf32>
    %dot_general3A_16 = tpu.matmul %max3A_11, %get3A_14, %dot_general3A_15 {dimension_numbers = #tpu.dot_dimension_numbers<[1], [0], [0], [1], [0, 0, 1, 1], [], []>, transpose_lhs_hint = false} : vector<2000x16xf32>, vector<16x8xf32>, vector<2000x8xf32> -> vector<2000x8xf32>
    %get3A_17 = arith.constant 0 : index
    %get3A_18 = arith.constant 0 : index
    %get3A_19 = vector.load %arg5[%get3A_17, %get3A_18] : memref<1x8xf32, #tpu.memory_space<vmem>>, vector<1x8xf32>
    %add3A_20 = vector.broadcast %get3A_19 : vector<1x8xf32> to vector<2000x8xf32>
    %add3A_21 = arith.addf %dot_general3A_16, %add3A_20 : vector<2000x8xf32>
    %max3A_22 = arith.constant 0.000000e+00 : f32
    %max3A_23 = vector.broadcast %max3A_22 : f32 to vector<2000x8xf32>
    %max3A_24 = arith.maximumf %add3A_21, %max3A_23 : vector<2000x8xf32>
    %get3A_25 = arith.constant 0 : index
    %get3A_26 = arith.constant 0 : index
    %get3A_27 = vector.load %arg6[%get3A_25, %get3A_26] : memref<8x128xf32, #tpu.memory_space<vmem>>, vector<8x128xf32>
    %dot_general3A_28 = arith.constant dense<0.000000e+00> : vector<2000x128xf32>
    %dot_general3A_29 = tpu.matmul %max3A_24, %get3A_27, %dot_general3A_28 {dimension_numbers = #tpu.dot_dimension_numbers<[1], [0], [0], [1], [0, 0, 1, 1], [], []>, transpose_lhs_hint = false} : vector<2000x8xf32>, vector<8x128xf32>, vector<2000x128xf32> -> vector<2000x128xf32>
    %get3A_30 = arith.constant 0 : index
    %get3A_31 = arith.constant 0 : index
    %get3A_32 = vector.load %arg7[%get3A_30, %get3A_31] : memref<1x128xf32, #tpu.memory_space<vmem>>, vector<1x128xf32>
    %add3A_33 = vector.broadcast %get3A_32 : vector<1x128xf32> to vector<2000x128xf32>
    %add3A_34 = arith.addf %dot_general3A_29, %add3A_33 : vector<2000x128xf32>
    %swap3A = arith.constant 0 : index
    %swap3A_35 = arith.constant 0 : index
    %swap3A_36 = vector.load %arg14[%swap3A, %swap3A_35] : memref<2000x128xf32, #tpu.memory_space<vmem>>, vector<2000x128xf32>
    tpu.vector_store %arg14[%swap3A, %swap3A_35], %add3A_34 {strides = array<i32>} : memref<2000x128xf32, #tpu.memory_space<vmem>>, vector<2000x128xf32>,
    %get3A_37 = arith.constant 0 : index
    %get3A_38 = arith.constant 0 : index
    %get3A_39 = vector.load %arg8[%get3A_37, %get3A_38] : memref<128x16xf32, #tpu.memory_space<vmem>>, vector<128x16xf32>
    %dot_general3A_40 = arith.constant dense<0.000000e+00> : vector<2000x16xf32>
    %dot_general3A_41 = tpu.matmul %add3A_34, %get3A_39, %dot_general3A_40 {dimension_numbers = #tpu.dot_dimension_numbers<[1], [0], [0], [1], [0, 0, 1, 1], [], []>, transpose_lhs_hint = false} : vector<2000x128xf32>, vector<128x16xf32>, vector<2000x16xf32> -> vector<2000x16xf32>
    %get3A_42 = arith.constant 0 : index
    %get3A_43 = arith.constant 0 : index
    %get3A_44 = vector.load %arg9[%get3A_42, %get3A_43] : memref<1x16xf32, #tpu.memory_space<vmem>>, vector<1x16xf32>
    %add3A_45 = vector.broadcast %get3A_44 : vector<1x16xf32> to vector<2000x16xf32>
    %add3A_46 = arith.addf %dot_general3A_41, %add3A_45 : vector<2000x16xf32>
    %max3A_47 = arith.constant 0.000000e+00 : f32
    %max3A_48 = vector.broadcast %max3A_47 : f32 to vector<2000x16xf32>
    %max3A_49 = arith.maximumf %add3A_46, %max3A_48 : vector<2000x16xf32>
    %get3A_50 = arith.constant 0 : index
    %get3A_51 = arith.constant 0 : index
    %get3A_52 = vector.load %arg10[%get3A_50, %get3A_51] : memref<16x8xf32, #tpu.memory_space<vmem>>, vector<16x8xf32>
    %dot_general3A_53 = arith.constant dense<0.000000e+00> : vector<2000x8xf32>
    %dot_general3A_54 = tpu.matmul %max3A_49, %get3A_52, %dot_general3A_53 {dimension_numbers = #tpu.dot_dimension_numbers<[1], [0], [0], [1], [0, 0, 1, 1], [], []>, transpose_lhs_hint = false} : vector<2000x16xf32>, vector<16x8xf32>, vector<2000x8xf32> -> vector<2000x8xf32>
    %get3A_55 = arith.constant 0 : index
    %get3A_56 = arith.constant 0 : index
    %get3A_57 = vector.load %arg11[%get3A_55, %get3A_56] : memref<1x8xf32, #tpu.memory_space<vmem>>, vector<1x8xf32>
    %add3A_58 = vector.broadcast %get3A_57 : vector<1x8xf32> to vector<2000x8xf32>
    %add3A_59 = arith.addf %dot_general3A_54, %add3A_58 : vector<2000x8xf32>
    %max3A_60 = arith.constant 0.000000e+00 : f32
    %max3A_61 = vector.broadcast %max3A_60 : f32 to vector<2000x8xf32>
    %max3A_62 = arith.maximumf %add3A_59, %max3A_61 : vector<2000x8xf32>
    %get3A_63 = arith.constant 0 : index
    %get3A_64 = arith.constant 0 : index
    %get3A_65 = vector.load %arg12[%get3A_63, %get3A_64] : memref<8x16xf32, #tpu.memory_space<vmem>>, vector<8x16xf32>
    %dot_general3A_66 = arith.constant dense<0.000000e+00> : vector<2000x16xf32>
    %dot_general3A_67 = tpu.matmul %max3A_62, %get3A_65, %dot_general3A_66 {dimension_numbers = #tpu.dot_dimension_numbers<[1], [0], [0], [1], [0, 0, 1, 1], [], []>, transpose_lhs_hint = false} : vector<2000x8xf32>, vector<8x16xf32>, vector<2000x16xf32> -> vector<2000x16xf32>
    %get3A_68 = arith.constant 0 : index
    %get3A_69 = arith.constant 0 : index
    %get3A_70 = vector.load %arg13[%get3A_68, %get3A_69] : memref<1x16xf32, #tpu.memory_space<vmem>>, vector<1x16xf32>
    %add3A_71 = vector.broadcast %get3A_70 : vector<1x16xf32> to vector<2000x16xf32>
    %add3A_72 = arith.addf %dot_general3A_67, %add3A_71 : vector<2000x16xf32>
    %swap3A_73 = arith.constant 0 : index
    %swap3A_74 = arith.constant 0 : index
    %swap3A_75 = vector.load %arg15[%swap3A_73, %swap3A_74] : memref<2000x16xf32, #tpu.memory_space<vmem>>, vector<2000x16xf32>
    tpu.vector_store %arg15[%swap3A_73, %swap3A_74], %add3A_72 {strides = array<i32>} : memref<2000x16xf32, #tpu.memory_space<vmem>>, vector<2000x16xf32>,
    return
  }
  func.func @transform_0(%arg0: i32) -> (i32, i32) {
    %c0_i32 = arith.constant 0 : i32
    %c0_i32_0 = arith.constant 0 : i32
    return %arg0, %c0_i32 : i32, i32
  }
  func.func @transform_1(%arg0: i32) -> (i32, i32) {
    %c0_i32 = arith.constant 0 : i32
    %c0_i32_0 = arith.constant 0 : i32
    %c0_i32_1 = arith.constant 0 : i32
    return %c0_i32, %c0_i32_0 : i32, i32
  }
  func.func @transform_2(%arg0: i32) -> (i32, i32) {
    %c0_i32 = arith.constant 0 : i32
    %c0_i32_0 = arith.constant 0 : i32
    %c0_i32_1 = arith.constant 0 : i32
    return %c0_i32, %c0_i32_0 : i32, i32
  }
  func.func @transform_3(%arg0: i32) -> (i32, i32) {
    %c0_i32 = arith.constant 0 : i32
    %c0_i32_0 = arith.constant 0 : i32
    %c0_i32_1 = arith.constant 0 : i32
    return %c0_i32, %c0_i32_0 : i32, i32
  }
  func.func @transform_4(%arg0: i32) -> (i32, i32) {
    %c0_i32 = arith.constant 0 : i32
    %c0_i32_0 = arith.constant 0 : i32
    %c0_i32_1 = arith.constant 0 : i32
    return %c0_i32, %c0_i32_0 : i32, i32
  }
  func.func @transform_5(%arg0: i32) -> (i32, i32) {
    %c0_i32 = arith.constant 0 : i32
    %c0_i32_0 = arith.constant 0 : i32
    %c0_i32_1 = arith.constant 0 : i32
    return %c0_i32, %c0_i32_0 : i32, i32
  }
  func.func @transform_6(%arg0: i32) -> (i32, i32) {
    %c0_i32 = arith.constant 0 : i32
    %c0_i32_0 = arith.constant 0 : i32
    %c0_i32_1 = arith.constant 0 : i32
    return %c0_i32, %c0_i32_0 : i32, i32
  }
  func.func @transform_7(%arg0: i32) -> (i32, i32) {
    %c0_i32 = arith.constant 0 : i32
    %c0_i32_0 = arith.constant 0 : i32
    %c0_i32_1 = arith.constant 0 : i32
    return %c0_i32, %c0_i32_0 : i32, i32
  }
  func.func @transform_8(%arg0: i32) -> (i32, i32) {
    %c0_i32 = arith.constant 0 : i32
    %c0_i32_0 = arith.constant 0 : i32
    %c0_i32_1 = arith.constant 0 : i32
    return %c0_i32, %c0_i32_0 : i32, i32
  }
  func.func @transform_9(%arg0: i32) -> (i32, i32) {
    %c0_i32 = arith.constant 0 : i32
    %c0_i32_0 = arith.constant 0 : i32
    %c0_i32_1 = arith.constant 0 : i32
    return %c0_i32, %c0_i32_0 : i32, i32
  }
  func.func @transform_10(%arg0: i32) -> (i32, i32) {
    %c0_i32 = arith.constant 0 : i32
    %c0_i32_0 = arith.constant 0 : i32
    %c0_i32_1 = arith.constant 0 : i32
    return %c0_i32, %c0_i32_0 : i32, i32
  }
  func.func @transform_11(%arg0: i32) -> (i32, i32) {
    %c0_i32 = arith.constant 0 : i32
    %c0_i32_0 = arith.constant 0 : i32
    %c0_i32_1 = arith.constant 0 : i32
    return %c0_i32, %c0_i32_0 : i32, i32
  }
  func.func @transform_12(%arg0: i32) -> (i32, i32) {
    %c0_i32 = arith.constant 0 : i32
    %c0_i32_0 = arith.constant 0 : i32
    %c0_i32_1 = arith.constant 0 : i32
    return %c0_i32, %c0_i32_0 : i32, i32
  }
  func.func @transform_13(%arg0: i32) -> (i32, i32) {
    %c0_i32 = arith.constant 0 : i32
    %c0_i32_0 = arith.constant 0 : i32
    return %arg0, %c0_i32 : i32, i32
  }
  func.func @transform_14(%arg0: i32) -> (i32, i32) {
    %c0_i32 = arith.constant 0 : i32
    %c0_i32_0 = arith.constant 0 : i32
    return %arg0, %c0_i32 : i32, i32
  }
}

module attributes {stable_mosaic.version = 14 : i64} {
  func.func @_post_body(%arg0: i32, %arg1: memref<2000x128xf32, #tpu.memory_space<vmem>>, %arg2: memref<2000x128xf32, #tpu.memory_space<vmem>>, %arg3: memref<2x2000x16xf32, #tpu.memory_space<vmem>>, %arg4: memref<1x1x2000xi32, #tpu.memory_space<vmem>>, %arg5: memref<16x16xf32, #tpu.memory_space<vmem>>, %arg6: memref<1x16xf32, #tpu.memory_space<vmem>>, %arg7: memref<16x8xf32, #tpu.memory_space<vmem>>, %arg8: memref<1x8xf32, #tpu.memory_space<vmem>>, %arg9: memref<8x128xf32, #tpu.memory_space<vmem>>, %arg10: memref<1x128xf32, #tpu.memory_space<vmem>>, %arg11: memref<128x16xf32, #tpu.memory_space<vmem>>, %arg12: memref<128x16xf32, #tpu.memory_space<vmem>>, %arg13: memref<1x16xf32, #tpu.memory_space<vmem>>, %arg14: memref<16x8xf32, #tpu.memory_space<vmem>>, %arg15: memref<1x8xf32, #tpu.memory_space<vmem>>, %arg16: memref<8x16xf32, #tpu.memory_space<vmem>>, %arg17: memref<1x16xf32, #tpu.memory_space<vmem>>, %arg18: memref<16x128xf32, #tpu.memory_space<vmem>>, %arg19: memref<128x16xf32, #tpu.memory_space<vmem>>, %arg20: memref<1x16xf32, #tpu.memory_space<vmem>>, %arg21: memref<16x8xf32, #tpu.memory_space<vmem>>, %arg22: memref<1x8xf32, #tpu.memory_space<vmem>>, %arg23: memref<16x128xf32, #tpu.memory_space<vmem>>, %arg24: memref<64x1xi32, #tpu.memory_space<vmem>>, %arg25: memref<64x1xi32, #tpu.memory_space<vmem>>, %arg26: memref<2000x128xf32, #tpu.memory_space<vmem>>, %arg27: memref<512x128xf32, #tpu.memory_space<vmem>>, %arg28: memref<64x128xf32, #tpu.memory_space<vmem>>, %arg29: memref<512x16xf32, #tpu.memory_space<vmem>>) attributes {dimension_semantics = [#tpu.dimension_semantics<arbitrary>], iteration_bounds = array<i64: 5>, scalar_prefetch = 0 : i64, scratch_operands = 0 : i64, tpu.core_type = #tpu.core_type<tc>, window_params = [{transform_indices = @transform_0, window_bounds = array<i64: 2000, 128>}, {transform_indices = @transform_1, window_bounds = array<i64: 2000, 128>}, {transform_indices = @transform_2, window_bounds = array<i64: 2, 2000, 16>}, {transform_indices = @transform_3, window_bounds = array<i64: 1, 1, 2000>}, {pipeline_mode = #tpu.pipeline_mode<synchronous>, transform_indices = @transform_4, window_bounds = array<i64: 16, 16>}, {pipeline_mode = #tpu.pipeline_mode<synchronous>, transform_indices = @transform_5, window_bounds = array<i64: 1, 16>}, {pipeline_mode = #tpu.pipeline_mode<synchronous>, transform_indices = @transform_6, window_bounds = array<i64: 16, 8>}, {pipeline_mode = #tpu.pipeline_mode<synchronous>, transform_indices = @transform_7, window_bounds = array<i64: 1, 8>}, {pipeline_mode = #tpu.pipeline_mode<synchronous>, transform_indices = @transform_8, window_bounds = array<i64: 8, 128>}, {pipeline_mode = #tpu.pipeline_mode<synchronous>, transform_indices = @transform_9, window_bounds = array<i64: 1, 128>}, {pipeline_mode = #tpu.pipeline_mode<synchronous>, transform_indices = @transform_10, window_bounds = array<i64: 128, 16>}, {pipeline_mode = #tpu.pipeline_mode<synchronous>, transform_indices = @transform_11, window_bounds = array<i64: 128, 16>}, {pipeline_mode = #tpu.pipeline_mode<synchronous>, transform_indices = @transform_12, window_bounds = array<i64: 1, 16>}, {pipeline_mode = #tpu.pipeline_mode<synchronous>, transform_indices = @transform_13, window_bounds = array<i64: 16, 8>}, {pipeline_mode = #tpu.pipeline_mode<synchronous>, transform_indices = @transform_14, window_bounds = array<i64: 1, 8>}, {pipeline_mode = #tpu.pipeline_mode<synchronous>, transform_indices = @transform_15, window_bounds = array<i64: 8, 16>}, {pipeline_mode = #tpu.pipeline_mode<synchronous>, transform_indices = @transform_16, window_bounds = array<i64: 1, 16>}, {pipeline_mode = #tpu.pipeline_mode<synchronous>, transform_indices = @transform_17, window_bounds = array<i64: 16, 128>}, {pipeline_mode = #tpu.pipeline_mode<synchronous>, transform_indices = @transform_18, window_bounds = array<i64: 128, 16>}, {pipeline_mode = #tpu.pipeline_mode<synchronous>, transform_indices = @transform_19, window_bounds = array<i64: 1, 16>}, {pipeline_mode = #tpu.pipeline_mode<synchronous>, transform_indices = @transform_20, window_bounds = array<i64: 16, 8>}, {pipeline_mode = #tpu.pipeline_mode<synchronous>, transform_indices = @transform_21, window_bounds = array<i64: 1, 8>}, {pipeline_mode = #tpu.pipeline_mode<synchronous>, transform_indices = @transform_22, window_bounds = array<i64: 16, 128>}, {pipeline_mode = #tpu.pipeline_mode<synchronous>, transform_indices = @transform_23, window_bounds = array<i64: 64, 1>}, {pipeline_mode = #tpu.pipeline_mode<synchronous>, transform_indices = @transform_24, window_bounds = array<i64: 64, 1>}, {transform_indices = @transform_25, window_bounds = array<i64: 2000, 128>}, {pipeline_mode = #tpu.pipeline_mode<synchronous>, transform_indices = @transform_26, window_bounds = array<i64: 512, 128>}, {pipeline_mode = #tpu.pipeline_mode<synchronous>, transform_indices = @transform_27, window_bounds = array<i64: 64, 128>}, {pipeline_mode = #tpu.pipeline_mode<synchronous>, transform_indices = @transform_28, window_bounds = array<i64: 512, 16>}]} {
    %get3A = arith.constant 0 : index
    %get3A_0 = arith.constant 0 : index
    %get3A_1 = arith.constant 0 : index
    %get3A_2 = vector.load %arg3[%get3A, %get3A_0, %get3A_1] : memref<2x2000x16xf32, #tpu.memory_space<vmem>>, vector<1x2000x16xf32>
    %get3A_3 = vector.shape_cast %get3A_2 : vector<1x2000x16xf32> to vector<2000x16xf32>
    %get3A_4 = arith.constant 1 : index
    %get3A_5 = arith.constant 0 : index
    %get3A_6 = arith.constant 0 : index
    %get3A_7 = vector.load %arg3[%get3A_4, %get3A_5, %get3A_6] : memref<2x2000x16xf32, #tpu.memory_space<vmem>>, vector<1x2000x16xf32>
    %get3A_8 = vector.shape_cast %get3A_7 : vector<1x2000x16xf32> to vector<2000x16xf32>
    %add3A = arith.addf %get3A_3, %get3A_8 : vector<2000x16xf32>
    %get3A_9 = arith.constant 0 : index
    %get3A_10 = arith.constant 0 : index
    %get3A_11 = vector.load %arg5[%get3A_9, %get3A_10] : memref<16x16xf32, #tpu.memory_space<vmem>>, vector<16x16xf32>
    %dot_general3A = arith.constant dense<0.000000e+00> : vector<2000x16xf32>
    %dot_general3A_12 = tpu.matmul %add3A, %get3A_11, %dot_general3A {dimension_numbers = #tpu.dot_dimension_numbers<[1], [0], [0], [1], [0, 0, 1, 1], [], []>, transpose_lhs_hint = false} : vector<2000x16xf32>, vector<16x16xf32>, vector<2000x16xf32> -> vector<2000x16xf32>
    %get3A_13 = arith.constant 0 : index
    %get3A_14 = arith.constant 0 : index
    %get3A_15 = vector.load %arg6[%get3A_13, %get3A_14] : memref<1x16xf32, #tpu.memory_space<vmem>>, vector<1x16xf32>
    %add3A_16 = vector.broadcast %get3A_15 : vector<1x16xf32> to vector<2000x16xf32>
    %add3A_17 = arith.addf %dot_general3A_12, %add3A_16 : vector<2000x16xf32>
    %max3A = arith.constant 0.000000e+00 : f32
    %max3A_18 = vector.broadcast %max3A : f32 to vector<2000x16xf32>
    %max3A_19 = arith.maximumf %add3A_17, %max3A_18 : vector<2000x16xf32>
    %get3A_20 = arith.constant 0 : index
    %get3A_21 = arith.constant 0 : index
    %get3A_22 = vector.load %arg7[%get3A_20, %get3A_21] : memref<16x8xf32, #tpu.memory_space<vmem>>, vector<16x8xf32>
    %dot_general3A_23 = arith.constant dense<0.000000e+00> : vector<2000x8xf32>
    %dot_general3A_24 = tpu.matmul %max3A_19, %get3A_22, %dot_general3A_23 {dimension_numbers = #tpu.dot_dimension_numbers<[1], [0], [0], [1], [0, 0, 1, 1], [], []>, transpose_lhs_hint = false} : vector<2000x16xf32>, vector<16x8xf32>, vector<2000x8xf32> -> vector<2000x8xf32>
    %get3A_25 = arith.constant 0 : index
    %get3A_26 = arith.constant 0 : index
    %get3A_27 = vector.load %arg8[%get3A_25, %get3A_26] : memref<1x8xf32, #tpu.memory_space<vmem>>, vector<1x8xf32>
    %add3A_28 = vector.broadcast %get3A_27 : vector<1x8xf32> to vector<2000x8xf32>
    %add3A_29 = arith.addf %dot_general3A_24, %add3A_28 : vector<2000x8xf32>
    %max3A_30 = arith.constant 0.000000e+00 : f32
    %max3A_31 = vector.broadcast %max3A_30 : f32 to vector<2000x8xf32>
    %max3A_32 = arith.maximumf %add3A_29, %max3A_31 : vector<2000x8xf32>
    %get3A_33 = arith.constant 0 : index
    %get3A_34 = arith.constant 0 : index
    %get3A_35 = vector.load %arg2[%get3A_33, %get3A_34] : memref<2000x128xf32, #tpu.memory_space<vmem>>, vector<2000x128xf32>
    %get3A_36 = arith.constant 0 : index
    %get3A_37 = arith.constant 0 : index
    %get3A_38 = vector.load %arg9[%get3A_36, %get3A_37] : memref<8x128xf32, #tpu.memory_space<vmem>>, vector<8x128xf32>
    %dot_general3A_39 = arith.constant dense<0.000000e+00> : vector<2000x128xf32>
    %dot_general3A_40 = tpu.matmul %max3A_32, %get3A_38, %dot_general3A_39 {dimension_numbers = #tpu.dot_dimension_numbers<[1], [0], [0], [1], [0, 0, 1, 1], [], []>, transpose_lhs_hint = false} : vector<2000x8xf32>, vector<8x128xf32>, vector<2000x128xf32> -> vector<2000x128xf32>
    %get3A_41 = arith.constant 0 : index
    %get3A_42 = arith.constant 0 : index
    %get3A_43 = vector.load %arg10[%get3A_41, %get3A_42] : memref<1x128xf32, #tpu.memory_space<vmem>>, vector<1x128xf32>
    %add3A_44 = vector.broadcast %get3A_43 : vector<1x128xf32> to vector<2000x128xf32>
    %add3A_45 = arith.addf %dot_general3A_40, %add3A_44 : vector<2000x128xf32>
    %add3A_46 = arith.addf %get3A_35, %add3A_45 : vector<2000x128xf32>
    %swap3A = arith.constant 0 : index
    %swap3A_47 = arith.constant 0 : index
    %swap3A_48 = vector.load %arg26[%swap3A, %swap3A_47] : memref<2000x128xf32, #tpu.memory_space<vmem>>, vector<2000x128xf32>
    tpu.vector_store %arg26[%swap3A, %swap3A_47], %add3A_46 {strides = array<i32>} : memref<2000x128xf32, #tpu.memory_space<vmem>>, vector<2000x128xf32>,
    %get3A_49 = arith.constant 0 : index
    %get3A_50 = arith.constant 0 : index
    %get3A_51 = vector.load %arg1[%get3A_49, %get3A_50] : memref<2000x128xf32, #tpu.memory_space<vmem>>, vector<2000x128xf32>
    %get3A_52 = arith.constant 0 : index
    %get3A_53 = arith.constant 0 : index
    %get3A_54 = vector.load %arg11[%get3A_52, %get3A_53] : memref<128x16xf32, #tpu.memory_space<vmem>>, vector<128x16xf32>
    %dot_general3A_55 = arith.constant dense<0.000000e+00> : vector<2000x16xf32>
    %dot_general3A_56 = tpu.matmul %get3A_51, %get3A_54, %dot_general3A_55 {dimension_numbers = #tpu.dot_dimension_numbers<[1], [0], [0], [1], [0, 0, 1, 1], [], []>, transpose_lhs_hint = false} : vector<2000x128xf32>, vector<128x16xf32>, vector<2000x16xf32> -> vector<2000x16xf32>
    %get3A_57 = arith.constant 0 : index
    %get3A_58 = arith.constant 0 : index
    %get3A_59 = vector.load %arg12[%get3A_57, %get3A_58] : memref<128x16xf32, #tpu.memory_space<vmem>>, vector<128x16xf32>
    %dot_general3A_60 = arith.constant dense<0.000000e+00> : vector<2000x16xf32>
    %dot_general3A_61 = tpu.matmul %add3A_46, %get3A_59, %dot_general3A_60 {dimension_numbers = #tpu.dot_dimension_numbers<[1], [0], [0], [1], [0, 0, 1, 1], [], []>, transpose_lhs_hint = false} : vector<2000x128xf32>, vector<128x16xf32>, vector<2000x16xf32> -> vector<2000x16xf32>
    %add3A_62 = arith.addf %dot_general3A_56, %dot_general3A_61 : vector<2000x16xf32>
    %get3A_63 = arith.constant 0 : index
    %get3A_64 = arith.constant 0 : index
    %get3A_65 = vector.load %arg13[%get3A_63, %get3A_64] : memref<1x16xf32, #tpu.memory_space<vmem>>, vector<1x16xf32>
    %add3A_66 = vector.broadcast %get3A_65 : vector<1x16xf32> to vector<2000x16xf32>
    %add3A_67 = arith.addf %add3A_62, %add3A_66 : vector<2000x16xf32>
    %max3A_68 = arith.constant 0.000000e+00 : f32
    %max3A_69 = vector.broadcast %max3A_68 : f32 to vector<2000x16xf32>
    %max3A_70 = arith.maximumf %add3A_67, %max3A_69 : vector<2000x16xf32>
    %get3A_71 = arith.constant 0 : index
    %get3A_72 = arith.constant 0 : index
    %get3A_73 = vector.load %arg14[%get3A_71, %get3A_72] : memref<16x8xf32, #tpu.memory_space<vmem>>, vector<16x8xf32>
    %dot_general3A_74 = arith.constant dense<0.000000e+00> : vector<2000x8xf32>
    %dot_general3A_75 = tpu.matmul %max3A_70, %get3A_73, %dot_general3A_74 {dimension_numbers = #tpu.dot_dimension_numbers<[1], [0], [0], [1], [0, 0, 1, 1], [], []>, transpose_lhs_hint = false} : vector<2000x16xf32>, vector<16x8xf32>, vector<2000x8xf32> -> vector<2000x8xf32>
    %get3A_76 = arith.constant 0 : index
    %get3A_77 = arith.constant 0 : index
    %get3A_78 = vector.load %arg15[%get3A_76, %get3A_77] : memref<1x8xf32, #tpu.memory_space<vmem>>, vector<1x8xf32>
    %add3A_79 = vector.broadcast %get3A_78 : vector<1x8xf32> to vector<2000x8xf32>
    %add3A_80 = arith.addf %dot_general3A_75, %add3A_79 : vector<2000x8xf32>
    %max3A_81 = arith.constant 0.000000e+00 : f32
    %max3A_82 = vector.broadcast %max3A_81 : f32 to vector<2000x8xf32>
    %max3A_83 = arith.maximumf %add3A_80, %max3A_82 : vector<2000x8xf32>
    %get3A_84 = arith.constant 0 : index
    %get3A_85 = arith.constant 0 : index
    %get3A_86 = vector.load %arg16[%get3A_84, %get3A_85] : memref<8x16xf32, #tpu.memory_space<vmem>>, vector<8x16xf32>
    %dot_general3A_87 = arith.constant dense<0.000000e+00> : vector<2000x16xf32>
    %dot_general3A_88 = tpu.matmul %max3A_83, %get3A_86, %dot_general3A_87 {dimension_numbers = #tpu.dot_dimension_numbers<[1], [0], [0], [1], [0, 0, 1, 1], [], []>, transpose_lhs_hint = false} : vector<2000x8xf32>, vector<8x16xf32>, vector<2000x16xf32> -> vector<2000x16xf32>
    %get3A_89 = arith.constant 0 : index
    %get3A_90 = arith.constant 0 : index
    %get3A_91 = vector.load %arg17[%get3A_89, %get3A_90] : memref<1x16xf32, #tpu.memory_space<vmem>>, vector<1x16xf32>
    %add3A_92 = vector.broadcast %get3A_91 : vector<1x16xf32> to vector<2000x16xf32>
    %add3A_93 = arith.addf %dot_general3A_88, %add3A_92 : vector<2000x16xf32>
    %iota3A = tpu.iota {dimensions = array<i32: 0>} : vector<512x2000xi32>
    %get3A_94 = arith.constant 0 : index
    %get3A_95 = arith.constant 0 : index
    %get3A_96 = arith.constant 0 : index
    %get3A_97 = vector.load %arg4[%get3A_94, %get3A_95, %get3A_96] : memref<1x1x2000xi32, #tpu.memory_space<vmem>>, vector<1x1x2000xi32>
    %get3A_98 = vector.shape_cast %get3A_97 : vector<1x1x2000xi32> to vector<1x2000xi32>
    %eq3A = vector.broadcast %get3A_98 : vector<1x2000xi32> to vector<512x2000xi32>
    %eq3A_99 = arith.cmpi eq, %iota3A, %eq3A : vector<512x2000xi32>
    %convert_element_type3A = arith.extui %eq3A_99 : vector<512x2000xi1> to vector<512x2000xi32>
    %convert_element_type3A_100 = arith.sitofp %convert_element_type3A : vector<512x2000xi32> to vector<512x2000xf32>
    %dot_general3A_101 = arith.constant dense<0.000000e+00> : vector<512x16xf32>
    %dot_general3A_102 = tpu.matmul %convert_element_type3A_100, %add3A_93, %dot_general3A_101 {dimension_numbers = #tpu.dot_dimension_numbers<[1], [0], [0], [1], [0, 0, 1, 1], [], []>, transpose_lhs_hint = false} : vector<512x2000xf32>, vector<2000x16xf32>, vector<512x16xf32> -> vector<512x16xf32>
    %eq3A_103 = arith.constant 0 : i32
    %eq3A_104 = arith.cmpi eq, %arg0, %eq3A_103 : i32
    %convert_element_type3A_105 = arith.extui %eq3A_104 : i1 to i32
    %cond3A = arith.constant 0 : i32
    %cond3A_106 = arith.cmpi ne, %convert_element_type3A_105, %cond3A : i32
    scf.if %cond3A_106 {
      %swap3A_116 = arith.constant 0 : index
      %swap3A_117 = arith.constant 0 : index
      %swap3A_118 = vector.load %arg29[%swap3A_116, %swap3A_117] : memref<512x16xf32, #tpu.memory_space<vmem>>, vector<512x16xf32>
      tpu.vector_store %arg29[%swap3A_116, %swap3A_117], %dot_general3A_102 {strides = array<i32>} : memref<512x16xf32, #tpu.memory_space<vmem>>, vector<512x16xf32>,
    } else {
    }
    %ne3A = arith.constant 0 : i32
    %ne3A_107 = arith.cmpi ne, %arg0, %ne3A : i32
    %convert_element_type3A_108 = arith.extui %ne3A_107 : i1 to i32
    %cond3A_109 = arith.constant 0 : i32
    %cond3A_110 = arith.cmpi ne, %convert_element_type3A_108, %cond3A_109 : i32
    scf.if %cond3A_110 {
      %get3A_116 = arith.constant 0 : index
      %get3A_117 = arith.constant 0 : index
      %get3A_118 = vector.load %arg29[%get3A_116, %get3A_117] : memref<512x16xf32, #tpu.memory_space<vmem>>, vector<512x16xf32>
      %add3A_119 = arith.addf %get3A_118, %dot_general3A_102 : vector<512x16xf32>
      %swap3A_120 = arith.constant 0 : index
      %swap3A_121 = arith.constant 0 : index
      %swap3A_122 = vector.load %arg29[%swap3A_120, %swap3A_121] : memref<512x16xf32, #tpu.memory_space<vmem>>, vector<512x16xf32>
      tpu.vector_store %arg29[%swap3A_120, %swap3A_121], %add3A_119 {strides = array<i32>} : memref<512x16xf32, #tpu.memory_space<vmem>>, vector<512x16xf32>,
    } else {
    }
    %eq3A_111 = arith.constant 4 : i32
    %eq3A_112 = arith.cmpi eq, %arg0, %eq3A_111 : i32
    %convert_element_type3A_113 = arith.extui %eq3A_112 : i1 to i32
    %cond3A_114 = arith.constant 0 : i32
    %cond3A_115 = arith.cmpi ne, %convert_element_type3A_113, %cond3A_114 : i32
    scf.if %cond3A_115 {
      %get3A_116 = arith.constant 0 : index
      %get3A_117 = arith.constant 0 : index
      %get3A_118 = vector.load %arg29[%get3A_116, %get3A_117] : memref<512x16xf32, #tpu.memory_space<vmem>>, vector<512x16xf32>
      %get3A_119 = arith.constant 0 : index
      %get3A_120 = arith.constant 0 : index
      %get3A_121 = vector.load %arg18[%get3A_119, %get3A_120] : memref<16x128xf32, #tpu.memory_space<vmem>>, vector<16x128xf32>
      %dot_general3A_122 = arith.constant dense<0.000000e+00> : vector<512x128xf32>
      %dot_general3A_123 = tpu.matmul %get3A_118, %get3A_121, %dot_general3A_122 {dimension_numbers = #tpu.dot_dimension_numbers<[1], [0], [0], [1], [0, 0, 1, 1], [], []>, transpose_lhs_hint = false} : vector<512x16xf32>, vector<16x128xf32>, vector<512x128xf32> -> vector<512x128xf32>
      %swap3A_124 = arith.constant 0 : index
      %swap3A_125 = arith.constant 0 : index
      %swap3A_126 = vector.load %arg27[%swap3A_124, %swap3A_125] : memref<512x128xf32, #tpu.memory_space<vmem>>, vector<512x128xf32>
      tpu.vector_store %arg27[%swap3A_124, %swap3A_125], %dot_general3A_123 {strides = array<i32>} : memref<512x128xf32, #tpu.memory_space<vmem>>, vector<512x128xf32>,
      %get3A_127 = arith.constant 0 : index
      %get3A_128 = arith.constant 0 : index
      %get3A_129 = vector.load %arg19[%get3A_127, %get3A_128] : memref<128x16xf32, #tpu.memory_space<vmem>>, vector<128x16xf32>
      %dot_general3A_130 = arith.constant dense<0.000000e+00> : vector<512x16xf32>
      %dot_general3A_131 = tpu.matmul %dot_general3A_123, %get3A_129, %dot_general3A_130 {dimension_numbers = #tpu.dot_dimension_numbers<[1], [0], [0], [1], [0, 0, 1, 1], [], []>, transpose_lhs_hint = false} : vector<512x128xf32>, vector<128x16xf32>, vector<512x16xf32> -> vector<512x16xf32>
      %get3A_132 = arith.constant 0 : index
      %get3A_133 = arith.constant 0 : index
      %get3A_134 = vector.load %arg20[%get3A_132, %get3A_133] : memref<1x16xf32, #tpu.memory_space<vmem>>, vector<1x16xf32>
      %add3A_135 = vector.broadcast %get3A_134 : vector<1x16xf32> to vector<512x16xf32>
      %add3A_136 = arith.addf %dot_general3A_131, %add3A_135 : vector<512x16xf32>
      %max3A_137 = arith.constant 0.000000e+00 : f32
      %max3A_138 = vector.broadcast %max3A_137 : f32 to vector<512x16xf32>
      %max3A_139 = arith.maximumf %add3A_136, %max3A_138 : vector<512x16xf32>
      %get3A_140 = arith.constant 0 : index
      %get3A_141 = arith.constant 0 : index
      %get3A_142 = vector.load %arg21[%get3A_140, %get3A_141] : memref<16x8xf32, #tpu.memory_space<vmem>>, vector<16x8xf32>
      %dot_general3A_143 = arith.constant dense<0.000000e+00> : vector<512x8xf32>
      %dot_general3A_144 = tpu.matmul %max3A_139, %get3A_142, %dot_general3A_143 {dimension_numbers = #tpu.dot_dimension_numbers<[1], [0], [0], [1], [0, 0, 1, 1], [], []>, transpose_lhs_hint = false} : vector<512x16xf32>, vector<16x8xf32>, vector<512x8xf32> -> vector<512x8xf32>
      %get3A_145 = arith.constant 0 : index
      %get3A_146 = arith.constant 0 : index
      %get3A_147 = vector.load %arg22[%get3A_145, %get3A_146] : memref<1x8xf32, #tpu.memory_space<vmem>>, vector<1x8xf32>
      %add3A_148 = vector.broadcast %get3A_147 : vector<1x8xf32> to vector<512x8xf32>
      %add3A_149 = arith.addf %dot_general3A_144, %add3A_148 : vector<512x8xf32>
      %max3A_150 = arith.constant 0.000000e+00 : f32
      %max3A_151 = vector.broadcast %max3A_150 : f32 to vector<512x8xf32>
      %max3A_152 = arith.maximumf %add3A_149, %max3A_151 : vector<512x8xf32>
      %get3A_153 = arith.constant 0 : index
      %get3A_154 = arith.constant 0 : index
      %get3A_155 = vector.load %arg16[%get3A_153, %get3A_154] : memref<8x16xf32, #tpu.memory_space<vmem>>, vector<8x16xf32>
      %dot_general3A_156 = arith.constant dense<0.000000e+00> : vector<512x16xf32>
      %dot_general3A_157 = tpu.matmul %max3A_152, %get3A_155, %dot_general3A_156 {dimension_numbers = #tpu.dot_dimension_numbers<[1], [0], [0], [1], [0, 0, 1, 1], [], []>, transpose_lhs_hint = false} : vector<512x8xf32>, vector<8x16xf32>, vector<512x16xf32> -> vector<512x16xf32>
      %get3A_158 = arith.constant 0 : index
      %get3A_159 = arith.constant 0 : index
      %get3A_160 = vector.load %arg17[%get3A_158, %get3A_159] : memref<1x16xf32, #tpu.memory_space<vmem>>, vector<1x16xf32>
      %add3A_161 = vector.broadcast %get3A_160 : vector<1x16xf32> to vector<512x16xf32>
      %add3A_162 = arith.addf %dot_general3A_157, %add3A_161 : vector<512x16xf32>
      %iota3A_163 = tpu.iota {dimensions = array<i32: 1>} : vector<64x512xi32>
      %get3A_164 = arith.constant 0 : index
      %get3A_165 = arith.constant 0 : index
      %get3A_166 = vector.load %arg24[%get3A_164, %get3A_165] : memref<64x1xi32, #tpu.memory_space<vmem>>, vector<64x1xi32>
      %ge3A = vector.broadcast %get3A_166 : vector<64x1xi32> to vector<64x512xi32>
      %ge3A_167 = arith.cmpi sge, %iota3A_163, %ge3A : vector<64x512xi32>
      %get3A_168 = arith.constant 0 : index
      %get3A_169 = arith.constant 0 : index
      %get3A_170 = vector.load %arg25[%get3A_168, %get3A_169] : memref<64x1xi32, #tpu.memory_space<vmem>>, vector<64x1xi32>
      %lt3A = vector.broadcast %get3A_170 : vector<64x1xi32> to vector<64x512xi32>
      %lt3A_171 = arith.cmpi slt, %iota3A_163, %lt3A : vector<64x512xi32>
      %and3A = arith.andi %ge3A_167, %lt3A_171 : vector<64x512xi1>
      %convert_element_type3A_172 = arith.extui %and3A : vector<64x512xi1> to vector<64x512xi32>
      %convert_element_type3A_173 = arith.sitofp %convert_element_type3A_172 : vector<64x512xi32> to vector<64x512xf32>
      %dot_general3A_174 = arith.constant dense<0.000000e+00> : vector<64x16xf32>
      %dot_general3A_175 = tpu.matmul %convert_element_type3A_173, %add3A_162, %dot_general3A_174 {dimension_numbers = #tpu.dot_dimension_numbers<[1], [0], [0], [1], [0, 0, 1, 1], [], []>, transpose_lhs_hint = false} : vector<64x512xf32>, vector<512x16xf32>, vector<64x16xf32> -> vector<64x16xf32>
      %get3A_176 = arith.constant 0 : index
      %get3A_177 = arith.constant 0 : index
      %get3A_178 = vector.load %arg23[%get3A_176, %get3A_177] : memref<16x128xf32, #tpu.memory_space<vmem>>, vector<16x128xf32>
      %dot_general3A_179 = arith.constant dense<0.000000e+00> : vector<64x128xf32>
      %dot_general3A_180 = tpu.matmul %dot_general3A_175, %get3A_178, %dot_general3A_179 {dimension_numbers = #tpu.dot_dimension_numbers<[1], [0], [0], [1], [0, 0, 1, 1], [], []>, transpose_lhs_hint = false} : vector<64x16xf32>, vector<16x128xf32>, vector<64x128xf32> -> vector<64x128xf32>
      %swap3A_181 = arith.constant 0 : index
      %swap3A_182 = arith.constant 0 : index
      %swap3A_183 = vector.load %arg28[%swap3A_181, %swap3A_182] : memref<64x128xf32, #tpu.memory_space<vmem>>, vector<64x128xf32>
      tpu.vector_store %arg28[%swap3A_181, %swap3A_182], %dot_general3A_180 {strides = array<i32>} : memref<64x128xf32, #tpu.memory_space<vmem>>, vector<64x128xf32>,
    } else {
    }
    return
  }
  func.func @transform_0(%arg0: i32) -> (i32, i32) {
    %c0_i32 = arith.constant 0 : i32
    %c0_i32_0 = arith.constant 0 : i32
    return %arg0, %c0_i32 : i32, i32
  }
  func.func @transform_1(%arg0: i32) -> (i32, i32) {
    %c0_i32 = arith.constant 0 : i32
    %c0_i32_0 = arith.constant 0 : i32
    return %arg0, %c0_i32 : i32, i32
  }
  func.func @transform_2(%arg0: i32) -> (i32, i32, i32) {
    %c0_i32 = arith.constant 0 : i32
    %c0_i32_0 = arith.constant 0 : i32
    %c0_i32_1 = arith.constant 0 : i32
    return %c0_i32, %arg0, %c0_i32_0 : i32, i32, i32
  }
  func.func @transform_3(%arg0: i32) -> (i32, i32, i32) {
    %c0_i32 = arith.constant 0 : i32
    %c0_i32_0 = arith.constant 0 : i32
    %c0_i32_1 = arith.constant 0 : i32
    return %arg0, %c0_i32, %c0_i32_0 : i32, i32, i32
  }
  func.func @transform_4(%arg0: i32) -> (i32, i32) {
    %c0_i32 = arith.constant 0 : i32
    %c0_i32_0 = arith.constant 0 : i32
    %c0_i32_1 = arith.constant 0 : i32
    return %c0_i32, %c0_i32_0 : i32, i32
  }
  func.func @transform_5(%arg0: i32) -> (i32, i32) {
    %c0_i32 = arith.constant 0 : i32
    %c0_i32_0 = arith.constant 0 : i32
    %c0_i32_1 = arith.constant 0 : i32
    return %c0_i32, %c0_i32_0 : i32, i32
  }
  func.func @transform_6(%arg0: i32) -> (i32, i32) {
    %c0_i32 = arith.constant 0 : i32
    %c0_i32_0 = arith.constant 0 : i32
    %c0_i32_1 = arith.constant 0 : i32
    return %c0_i32, %c0_i32_0 : i32, i32
  }
  func.func @transform_7(%arg0: i32) -> (i32, i32) {
    %c0_i32 = arith.constant 0 : i32
    %c0_i32_0 = arith.constant 0 : i32
    %c0_i32_1 = arith.constant 0 : i32
    return %c0_i32, %c0_i32_0 : i32, i32
  }
  func.func @transform_8(%arg0: i32) -> (i32, i32) {
    %c0_i32 = arith.constant 0 : i32
    %c0_i32_0 = arith.constant 0 : i32
    %c0_i32_1 = arith.constant 0 : i32
    return %c0_i32, %c0_i32_0 : i32, i32
  }
  func.func @transform_9(%arg0: i32) -> (i32, i32) {
    %c0_i32 = arith.constant 0 : i32
    %c0_i32_0 = arith.constant 0 : i32
    %c0_i32_1 = arith.constant 0 : i32
    return %c0_i32, %c0_i32_0 : i32, i32
  }
  func.func @transform_10(%arg0: i32) -> (i32, i32) {
    %c0_i32 = arith.constant 0 : i32
    %c0_i32_0 = arith.constant 0 : i32
    %c0_i32_1 = arith.constant 0 : i32
    return %c0_i32, %c0_i32_0 : i32, i32
  }
  func.func @transform_11(%arg0: i32) -> (i32, i32) {
    %c0_i32 = arith.constant 0 : i32
    %c0_i32_0 = arith.constant 0 : i32
    %c0_i32_1 = arith.constant 0 : i32
    return %c0_i32, %c0_i32_0 : i32, i32
  }
  func.func @transform_12(%arg0: i32) -> (i32, i32) {
    %c0_i32 = arith.constant 0 : i32
    %c0_i32_0 = arith.constant 0 : i32
    %c0_i32_1 = arith.constant 0 : i32
    return %c0_i32, %c0_i32_0 : i32, i32
  }
  func.func @transform_13(%arg0: i32) -> (i32, i32) {
    %c0_i32 = arith.constant 0 : i32
    %c0_i32_0 = arith.constant 0 : i32
    %c0_i32_1 = arith.constant 0 : i32
    return %c0_i32, %c0_i32_0 : i32, i32
  }
  func.func @transform_14(%arg0: i32) -> (i32, i32) {
    %c0_i32 = arith.constant 0 : i32
    %c0_i32_0 = arith.constant 0 : i32
    %c0_i32_1 = arith.constant 0 : i32
    return %c0_i32, %c0_i32_0 : i32, i32
  }
  func.func @transform_15(%arg0: i32) -> (i32, i32) {
    %c0_i32 = arith.constant 0 : i32
    %c0_i32_0 = arith.constant 0 : i32
    %c0_i32_1 = arith.constant 0 : i32
    return %c0_i32, %c0_i32_0 : i32, i32
  }
  func.func @transform_16(%arg0: i32) -> (i32, i32) {
    %c0_i32 = arith.constant 0 : i32
    %c0_i32_0 = arith.constant 0 : i32
    %c0_i32_1 = arith.constant 0 : i32
    return %c0_i32, %c0_i32_0 : i32, i32
  }
  func.func @transform_17(%arg0: i32) -> (i32, i32) {
    %c0_i32 = arith.constant 0 : i32
    %c0_i32_0 = arith.constant 0 : i32
    %c0_i32_1 = arith.constant 0 : i32
    return %c0_i32, %c0_i32_0 : i32, i32
  }
  func.func @transform_18(%arg0: i32) -> (i32, i32) {
    %c0_i32 = arith.constant 0 : i32
    %c0_i32_0 = arith.constant 0 : i32
    %c0_i32_1 = arith.constant 0 : i32
    return %c0_i32, %c0_i32_0 : i32, i32
  }
  func.func @transform_19(%arg0: i32) -> (i32, i32) {
    %c0_i32 = arith.constant 0 : i32
    %c0_i32_0 = arith.constant 0 : i32
    %c0_i32_1 = arith.constant 0 : i32
    return %c0_i32, %c0_i32_0 : i32, i32
  }
  func.func @transform_20(%arg0: i32) -> (i32, i32) {
    %c0_i32 = arith.constant 0 : i32
    %c0_i32_0 = arith.constant 0 : i32
    %c0_i32_1 = arith.constant 0 : i32
    return %c0_i32, %c0_i32_0 : i32, i32
  }
  func.func @transform_21(%arg0: i32) -> (i32, i32) {
    %c0_i32 = arith.constant 0 : i32
    %c0_i32_0 = arith.constant 0 : i32
    %c0_i32_1 = arith.constant 0 : i32
    return %c0_i32, %c0_i32_0 : i32, i32
  }
  func.func @transform_22(%arg0: i32) -> (i32, i32) {
    %c0_i32 = arith.constant 0 : i32
    %c0_i32_0 = arith.constant 0 : i32
    %c0_i32_1 = arith.constant 0 : i32
    return %c0_i32, %c0_i32_0 : i32, i32
  }
  func.func @transform_23(%arg0: i32) -> (i32, i32) {
    %c0_i32 = arith.constant 0 : i32
    %c0_i32_0 = arith.constant 0 : i32
    %c0_i32_1 = arith.constant 0 : i32
    return %c0_i32, %c0_i32_0 : i32, i32
  }
  func.func @transform_24(%arg0: i32) -> (i32, i32) {
    %c0_i32 = arith.constant 0 : i32
    %c0_i32_0 = arith.constant 0 : i32
    %c0_i32_1 = arith.constant 0 : i32
    return %c0_i32, %c0_i32_0 : i32, i32
  }
  func.func @transform_25(%arg0: i32) -> (i32, i32) {
    %c0_i32 = arith.constant 0 : i32
    %c0_i32_0 = arith.constant 0 : i32
    return %arg0, %c0_i32 : i32, i32
  }
  func.func @transform_26(%arg0: i32) -> (i32, i32) {
    %c0_i32 = arith.constant 0 : i32
    %c0_i32_0 = arith.constant 0 : i32
    %c0_i32_1 = arith.constant 0 : i32
    return %c0_i32, %c0_i32_0 : i32, i32
  }
  func.func @transform_27(%arg0: i32) -> (i32, i32) {
    %c0_i32 = arith.constant 0 : i32
    %c0_i32_0 = arith.constant 0 : i32
    %c0_i32_1 = arith.constant 0 : i32
    return %c0_i32, %c0_i32_0 : i32, i32
  }
  func.func @transform_28(%arg0: i32) -> (i32, i32) {
    %c0_i32 = arith.constant 0 : i32
    %c0_i32_0 = arith.constant 0 : i32
    %c0_i32_1 = arith.constant 0 : i32
    return %c0_i32, %c0_i32_0 : i32, i32
  }
}

</mosaic_0001>

<sc_bundles>
// kernel: kernel.5.cloned.1.call-start
scs
__scs_entry_jumppad:
0x0: {  	(pc) =	sbr.rel $0x88, $3  }
0x1: {  	(tag) =	ssettag $0x0;
	lr =	simm.s32 $0x1  }
0x2: {  	[smem:$0x3F7F] =	sst lr;
	_ =	strace $0xD0000000  }
0x3: {  	_ = 	snop  }
0x4: {  	_ = 	snop  }
0x5: {  	_ = 	snop  }
0x6: {  	_ = 	snop  }
0x7: {  	_ = 	snop  }
__scs_overlays_trampoline_lowered:
0x8: {  	[smem:$0x3F8E] =	sst s0  }
0x9: {  	[smem:$0x3F8F] =	sst s1  }
0xa: {  	[smem:$0x3F90] =	sst s2  }
0xb: {  	[smem:$0x3F91] =	sst s3  }
0xc: {  	[smem:$0x3F92] =	sst s4  }
0xd: {  	[smem:$0x3F93] =	sst s5  }
0xe: {  	[smem:$0x3F94] =	sst s6  }
0xf: {  	[smem:$0x3F95] =	sst s7  }
0x10: {  	[smem:$0x3F96] =	sst s8  }
0x11: {  	[smem:$0x3F97] =	sst s9;
	s0 =	simm.s32 @!p0 $0x0  }
0x12: {  	s1 =	sld [smem:$0x3F7D];
	s0 =	simm.s32 @p0 $0x1  }
0x13: {  	[smem:$0x3F98] =	sst s0;
	s0 =	simm.s32 @!p1 $0x0  }
0x14: {  	s2 =	sld [smem:$0x3F7C];
	s0 =	simm.s32 @p1 $0x1  }
0x15: {  	[smem:$0x3F99] =	sst s0;
	s0 =	simm.s32 @!p2 $0x0  }
0x16: {  	s3 =	sld [smem:$0x3FDB];
	s0 =	simm.s32 @p2 $0x1  }
0x17: {  	s4 =	simm.s32 $0x1BF5;
	[smem:$0x3F9B] =	sst s0  }
0x18: {  	s0 =	sld [smem:$0x3F7E];
	_ =	swait.ge [sflag:s4], $0x0  }
0x19: {  	s7 =	sld [smem:$0x3F7F]  }
0x1a: {  	s8 =	sadd.s32 $0xFFFFE003, lr  }
0x1b: {  	s9 =	sadd.s32 $0xFFFFFEF7, lr;
	s5 =	simm.s32 $0xFFFFFFFF;
	p2 =	slt.u32 s8, $0xFFFFF086  }
0x1c: {  	p1 =	slt.u32 s9, $0xF7A;
	s5 =	simm.s32 @!p2 $0x0  }
0x1d: {  	s5 =	simm.s32 @p1 $0x1;
	p0 =	seq.s32 s7, s2  }
0x1e: {  	s7 =	smul.u32 @!p0 $0xF7A, s2;
	p2 =	seq.s32 @!p0 s5, $0x0  }
0x1f: {  	s9 =	smul.u32 $0xF7A, s1;
	s8 =	simm.s32 @!p0 $0x1BF5;
	p2 =	por !p2, p0  }
0x20: {  	[sflag:s8] =	ssyncset.s32 @!p0 $0xFFFFF086;
	s6 =	sadd.s32 @!p0 s3, s7;
	s7 =	simm.s32 @!p0 $0x108  }
0x21: {  	s3 =	sadd.s32 s3, s9;
	s6 =	sadd.s32 @!p0 $0x88, s6;
	s7 =	simm.s32 @p2 $0x1082  }
0x22: {  	[simem:s7], [sflag:s8] =	dma.local @!p0 [hbm:s6], $0xF7A  }
0x23: {  	s9 =	sor.u32 $0xD0000000, s2;
	s6 =	simm.s32 $0x108;
	_ =	swait.ge @!p0 [sflag:s8], $0x0  }
0x24: {  	s3 =	sadd.s32 $0x88, s3;
	s6 =	simm.s32 @!p1 $0x1082;
	[sflag:s4] =	ssyncset.s32 $0xFFFFF086  }
0x25: {  	[simem:s6], [sflag:s4] =	dma.local [hbm:s3], $0xF7A  }
0x26: {  	[smem:$0x3F7F] =	sst s1;
	(tag) =	ssettag s2;
	_ =	strace s9  }
0x27: {  	s1 =	sld [smem:$0x3F8F]  }
0x28: {  	s2 =	sld [smem:$0x3F90]  }
0x29: {  	s4 =	sld [smem:$0x3F92]  }
0x2a: {  	p0 =	seq.s32 s5, $0x0;
	s5 =	sld [smem:$0x3F93]  }
0x2b: {  	s6 =	sld [smem:$0x3F94]  }
0x2c: {  	s7 =	sld [smem:$0x3F95]  }
0x2d: {  	s3 =	simm.s32 $0x108;
	s8 =	sld [smem:$0x3F96]  }
0x2e: {  	s3 =	simm.s32 @!p0 $0x1082;
	s9 =	sld [smem:$0x3F97]  }
0x2f: {  	lr =	sadd.s32 s0, s3;
	s0 =	sld [smem:$0x3F8E]  }
0x30: {  	s3 =	sld [smem:$0x3F91]  }
0x31: {  	[smem:$0x3F9A] =	sst s10  }
0x32: {  	s10 =	sld [smem:$0x3F98];
	_ =	sdelay $0x3  }
0x33: {  	p0 =	seq.s32 s10, $0x1;
	s10 =	sld [smem:$0x3F9A];
	_ =	sdelay $0x3  }
0x34: {  	[smem:$0x3F9A] =	sst s10  }
0x35: {  	s10 =	sld [smem:$0x3F99];
	_ =	sdelay $0x3  }
0x36: {  	p1 =	seq.s32 s10, $0x1;
	s10 =	sld [smem:$0x3F9A];
	_ =	sdelay $0x3  }
0x37: {  	[smem:$0x3F9A] =	sst s10  }
0x38: {  	s10 =	sld [smem:$0x3F9B]  }
0x39: {  	_ = 	snop;
	(pc) =	sbr.ind lr, $3  }
0x3a: {  	_ = 	snop  }
0x3b: {  	_ = 	snop  }
0x3c: {  	p2 =	seq.s32 s10, $0x1;
	s10 =	sld [smem:$0x3F9A]  }
0x3d: {  	_ =	shalt  }
0x3e: {  	_ =	shalt  }
0x3f: {  	_ =	shalt  }
0x40: {  	_ =	shalt  }
0x41: {  	_ =	shalt  }
0x42: {  	_ =	shalt  }
0x43: {  	_ =	shalt  }
0x44: {  	_ =	shalt  }
0x45: {  	_ =	shalt  }
0x46: {  	_ =	shalt  }
0x47: {  	_ =	shalt  }
0x48: {  	_ =	shalt  }
0x49: {  	_ =	shalt  }
0x4a: {  	_ =	shalt  }
0x4b: {  	_ =	shalt  }
0x4c: {  	_ =	shalt  }
0x4d: {  	_ =	shalt  }
0x4e: {  	_ =	shalt  }
0x4f: {  	_ =	shalt  }
0x50: {  	_ =	shalt  }
0x51: {  	_ =	shalt  }
0x52: {  	_ =	shalt  }
0x53: {  	_ =	shalt  }
0x54: {  	_ =	shalt  }
0x55: {  	_ =	shalt  }
0x56: {  	_ =	shalt  }
0x57: {  	_ =	shalt  }
0x58: {  	_ =	shalt  }
0x59: {  	_ =	shalt  }
0x5a: {  	_ =	shalt  }
0x5b: {  	_ =	shalt  }
0x5c: {  	_ =	shalt  }
0x5d: {  	_ =	shalt  }
0x5e: {  	_ =	shalt  }
0x5f: {  	_ =	shalt  }
0x60: {  	_ =	shalt  }
0x61: {  	_ =	shalt  }
0x62: {  	_ =	shalt  }
0x63: {  	_ =	shalt  }
0x64: {  	_ =	shalt  }
0x65: {  	_ =	shalt  }
0x66: {  	_ =	shalt  }
0x67: {  	_ =	shalt  }
0x68: {  	_ =	shalt  }
0x69: {  	_ =	shalt  }
0x6a: {  	_ =	shalt  }
0x6b: {  	_ =	shalt  }
0x6c: {  	_ =	shalt  }
0x6d: {  	_ =	shalt  }
0x6e: {  	_ =	shalt  }
0x6f: {  	_ =	shalt  }
0x70: {  	_ =	shalt  }
0x71: {  	_ =	shalt  }
0x72: {  	_ =	shalt  }
0x73: {  	_ =	shalt  }
0x74: {  	_ =	shalt  }
0x75: {  	_ =	shalt  }
0x76: {  	_ =	shalt  }
0x77: {  	_ =	shalt  }
0x78: {  	_ =	shalt  }
0x79: {  	_ =	shalt  }
0x7a: {  	_ =	shalt  }
0x7b: {  	_ =	shalt  }
0x7c: {  	_ =	shalt  }
0x7d: {  	_ =	shalt  }
0x7e: {  	_ =	shalt  }
0x7f: {  	_ =	shalt  }
0x80: {  	_ =	shalt  }
0x81: {  	_ =	shalt  }
0x82: {  	_ =	shalt  }
0x83: {  	_ =	shalt  }
0x84: {  	_ =	shalt  }
0x85: {  	_ =	shalt  }
0x86: {  	_ =	shalt  }
0x87: {  	_ =	shalt  }
.Lfunc_end0:
.L_simem_size_0:
called_computation_lowered:
.L_overlay_start_0:
0x88: {  	s2 =	sld [smem:$0x3FD9]  }
0x89: {  	s3 =	sld [smem:$0x3FFE];
	_ =	sdelay $0x1  }
0x8a: {  	s1 =	srdreg.scid  }
0x8b: {  	s0 =	sand.u32 $0x1, s1  }
0x8c: {  	s14 =	sshll.u32 s0, $0xA;
	s2 =	sadd.s32 s3, s2  }
0x8d: {  	s2 =	sadd.s32 s2, s14  }
0x8e: {  	[smem:$0x3FA6] =	sst s2  }
0x8f: {  	_ = 	snop  }
0x90: {  	s2 =	sld [smem:$0x3FD0];
	_ =	sdelay $0x2  }
0x91: {  	s15 =	simm.s32 $0xA;
	s4 =	simm.s32 $0x10  }
0x92: {  	[smem:s4], [sflag:s15] =	dma.local [hbm:s2], $0x1  }
0x93: {  	_ =	swait.eq [sflag:s15], $0x1  }
0x94: {  	[sflag:s15] =	ssyncset.done $0x0  }
0x95: {  	[sflag:s15] =	ssyncadd.s32 $0xFFFFFFFF  }
0x96: {  	s16 =	sld [smem:$0x10];
	(tm) =	ssettm $0x1  }
0x97: {  	s17 =	sld [smem:$0x3FFB];
	_ =	sdelay $0x3  }
0x98: {  	_ =	strace s17  }
0x99: {  	s3 =	sld [smem:$0x3FFC];
	_ =	sdelay $0x3  }
0x9a: {  	_ =	strace s3  }
0x9b: {  	s3 =	sld [smem:$0x3FFD];
	_ =	sdelay $0x3  }
0x9c: {  	_ =	strace s3  }
0x9d: {  	_ =	strace $0x8FFFFFFF  }
0x9e: {  	s18 =	sld [smem:$0x3FDB];
	_ =	sdelay $0x1  }
0x9f: {  	s19 =	simm.s32 $_scs_section_size  }
0xa0: {  	s5 =	simm.s32 $_size__tile_overlayer_lowered;
	s6 =	simm.s32 $_tile_overlayer_lowered  }
0xa1: {  	s22 =	simm.s32 $0x1BFF;
	s21 =	sshll.u32 s6, $0x1;
	s3 =	sadd.s32 s19, s18  }
0xa2: {  	s7 =	simm.s32 $0x0;
	s20 =	sshll.u32 s5, $0x1;
	s5 =	sadd.s32 s21, s3  }
0xa3: {  	[timem:s7], [sflag:s22] =	dma.local [hbm:s5], s20  }
0xa4: {  	_ =	swait.ge [sflag:s22], s20  }
0xa5: {  	s4 =	ssub.s32 $0x0, s20;
	[sflag:s22] =	ssyncset.done $0x0  }
0xa6: {  	[sflag:s22] =	ssyncadd.s32 s4;
	_ =	sdelay $0x1  }
0xa7: {  	s23 =	simm.s32 $0x1B8B  }
0xa8: {  	_ =	swait.ge [sflag:s23], $0x1  }
0xa9: {  	[sflag:s23] =	ssyncset.done $0x0  }
0xaa: {  	s25 =	simm.s32 $0x1B8E;
	s24 =	sld [smem:$0x3FFE];
	[sflag:s23] =	ssyncadd.s32 $0xFFFFFFFF  }
0xab: {  	s26 =	simm.s32 $execute0_lowered;
	[smem:$0x3FD2] =	sst s25  }
0xac: {  	s5 =	sshll.u32 s26, $0x1;
	_ =	strace $0x80000046;
	[dreg:$0x1] =	wrdreg $0xFFFFFFFF  }
0xad: {  	s28 =	simm.s32 $_size_execute0_lowered;
	s3 =	sadd.s32 s3, s5;
	[dreg:$0x0] =	wrdreg $0x0  }
0xae: {  	s5 =	sshll.u32 s28, $0x1;
	[dreg:$0x2] =	wrdreg s3  }
0xaf: {  	[dreg:$0x3] =	wrdreg s5  }
0xb0: {  	[dreg:$0x4] =	wrdreg $0xC0  }
0xb1: {  	_ =	task [dreg:s7], $0x5FFFF  }
0xb2: {  	[dreg:$0x1] =	wrdreg $0xFFFFFFFF  }
0xb3: {  	[dreg:$0x0] =	wrdreg $0x60  }
0xb4: {  	[dreg:$0x2] =	wrdreg s24  }
0xb5: {  	[dreg:$0x3] =	wrdreg s16  }
0xb6: {  	[dreg:$0x4] =	wrdreg $0x16FA00  }
0xb7: {  	[dreg:$0x5] =	wrdreg $0x9  }
0xb8: {  	_ =	task.clear_ibuf [dreg:s7], $0x6FFFF;
	_ =	strace $0x90000046  }
0xb9: {  	s29 =	simm.s32 $0x9;
	_ =	strace $0x80000048  }
0xba: {  	_ =	swait.ge [sflag:s29], $0x1  }
0xbb: {  	[sflag:s29] =	ssyncadd.s32 $0xFFFFFFFF  }
0xbc: {  	_ =	strace $0x90000048  }
0xbd: {  	_ =	sfence  }
0xbe: {  	s30 =	sld [smem:$0x0];
	_ =	sdelay $0x2  }
0xbf: {  	s31 =	sshll.u32 s1, $0xD;
	s1 =	sshrl.u32 s1, $0x2  }
0xc0: {  	s3 =	sand.u32 $0x4000, s31;
	s1 =	sadd.s32 s1, s30  }
0xc1: {  	s0 =	sor.u32 s3, s0;
	s1 =	sshll.u32 s1, $0x11  }
0xc2: {  	s0 =	sor.u32 s1, s0  }
0xc3: {  	s0 =	sadd.s32 $0x8F2B, s0  }
0xc4: {  	[sflag:s0] =	ssyncadd.remote.s32 $0x1  }
0xc5: {  	_ =	sfence.sel $0xFFFF  }
0xc6: {  	[dreg:$0x0] =	wrdreg $0xFFFFFFFF;
	(pc) =	sbr.abs _section_cstart, $3  }
0xc7: {  	[dreg:$0x1] =	wrdreg $0xFFFFFFFF  }
0xc8: {  	_ =	task.clear_ibuf [dreg:s7], $0x2FFFF;
	_ =	strace $0x9FFFFFFF  }
0xc9: {  	(tm) =	ssettm $0x7FFFFFFF  }
tec
execute0_lowered:
.L_overlay_start_1:
0x0: {  	(tag) =	ssettag $0x1  }
0x1: {  	s0 =	rddreg [dreg:$0x0]  }
0x2: {  	s1 =	rddreg [dreg:$0x1]  }
0x3: {  	s2 =	rddreg [dreg:$0x2]  }
0x4: {  	s3 =	srdreg.scid;
	s4 =	stileid.u32;
	s14 =	simm.s32 $0x2710  }
0x5: {  	s15 =	simm.s32 $0x2EE0;
	s16 =	simm.s32 $0x36B0;
	s17 =	simm.s32 $0x3E80  }
0x6: {  	s18 =	simm.s32 $0x4650;
	s20 =	simm.s32 $0x5;
	s21 =	simm.s32 $0x1  }
0x7: {  	s22 =	simm.s32 $0x7D0;
	s23 =	simm.s32 $0x4E20;
	s28 =	simm.s32 $0x2  }
0x8: {  	s29 =	simm.s32 $0x4;
	s30 =	simm.s32 $0x1770;
	s31 =	simm.s32 $0x1F40  }
0x9: {  	s5 =	sand.u32 $0x1, s3;
	s11 =	smul.u32 $0x2780, s4;
	s4 =	sshll.u32 s4, $0x1  }
0xa: {  	s3 =	simm.s32 $0x0;
	s6 =	smul.u32 $0x27800, s5;
	s4 =	sor.u32 s5, s4  }
0xb: {  	[smem:$0x7FF] =	sst s3;
	s8 =	ssub.s32 $0x2, s5;
	s7 =	smul.u32 $0x2710, s4  }
0xc: {  	_ =	strace $0x80000047;
	s4 =	sadd.s32 $0x4400, s0;
	s25 =	sshrl.u32 s8, $0x1  }
0xd: {  	s6 =	sadd.s32 s11, s6;
	s26 =	ssub.s32 s8, s25;
	s11 =	sadd.s32 s11, s2  }
0xe: {  	s25 =	simm.s32 $0x3;
	s6 =	sshrl.u32 s6, $0x3;
	s24 =	sshrl.u32 s7, $0x3  }
0xf: {  	s13 =	smax.u32 s26, $0x1;
	s26 =	simm.s32 $0xFA0;
	s5 =	sadd.s32 s1, s24  }
0x10: {  	s0 =	sadd.s32 s6, s0;
	s24 =	simm.s32 $0xCB20;
	s6 =	sadd.s32 $0x9C40, s5  }
0x11: {  	s7 =	sadd.s32 $0x9D3A, s5;
	s8 =	sadd.s32 $0x9E34, s5;
	s9 =	sadd.s32 $0x9F2E, s5  }
0x12: {  	v0 =	vimm.f32 $0.0e+00;
	s10 =	sadd.s32 $0xA028, s5;
	s12 =	sadd.s32 $0x9400, s0;
	s0 =	simm.s32 $0x0  }
.LBB2_1:
0x13: {  	[tilespmem:s3], [sflag:$0x1] =	stream.linear.gather [hbm4b:s5+s3], $0x2710, $0x38;
	[tilespmem:$0x19720] =	vst v63  }
0x14: {  	_ = 	snop  }
0x15: {  	[tilespmem:s14], [sflag:$0x1] =	stream.linear.gather [hbm4b:s6+s3], $0x7D0, $0x38;
	[tilespmem:$0x19720] =	vst v63  }
0x16: {  	_ = 	snop  }
0x17: {  	[tilespmem:s15], [sflag:$0x1] =	stream.linear.gather [hbm4b:s7+s3], $0x7D0, $0x38;
	[tilespmem:$0x19720] =	vst v63  }
0x18: {  	_ = 	snop  }
0x19: {  	[tilespmem:s16], [sflag:$0x1] =	stream.linear.gather [hbm4b:s8+s3], $0x7D0, $0x38;
	[tilespmem:$0x19720] =	vst v63  }
0x1a: {  	_ = 	snop  }
0x1b: {  	[tilespmem:s17], [sflag:$0x1] =	stream.linear.gather [hbm4b:s9+s3], $0x7D0, $0x38;
	[tilespmem:$0x19720] =	vst v63  }
0x1c: {  	s1 =	simm.s32 $0x40;
	s19 =	simm.s32 $0x0  }
0x1d: {  	[tilespmem:s18], [sflag:$0x1] =	stream.linear.gather [hbm4b:s10+s3], $0x7D0, $0x38;
	[tilespmem:$0x19720] =	vst v63  }
.LBB2_2:
0x1e: {  	p0 =	sne.s32 s1, $0x9DC0;
	[tilespmem:s19+$0x14820] =	vst v0;
	s19 =	smov.u32 s1;
	s1 =	sadd.s32 $0x40, s1  }
.Ltmp0:
0x1f: {  	(pc) =	sbr.rel @p0 .LBB2_2-.Ltmp0, $2  }
0x20: {  	_ =	sdelay $0x2  }
0x21: {  	s19 =	sshra.s32 s19, $0x2  }
0x22: {  	[tilespmem:s19+$0x14820] =	vst v0;
	s1 =	simm.s32 $0x14820  }
0x23: {  	[spmem:s11] =	stream.linear.scatter [tilespmem:s1], [sflag:$0x5], $0x2780, $0x38;
	[tilespmem:$0x19720] =	vst v63  }
0x24: {  	_ =	swait.ge [sflag:s20], $0x2780  }
0x25: {  	[sflag:s20] =	ssyncset.done $0x0  }
0x26: {  	[sflag:s20] =	ssyncadd.s32 $0xFFFFD880  }
0x27: {  	_ =	swait.ge [sflag:s21], $0x2710  }
0x28: {  	[sflag:s21] =	ssyncset.done $0x0  }
0x29: {  	[sflag:s21] =	ssyncadd.s32 $0xFFFFD8F0  }
0x2a: {  	_ =	swait.ge [sflag:s21], $0x7D0  }
0x2b: {  	[sflag:s21] =	ssyncset.done $0x0  }
0x2c: {  	[sflag:s21] =	ssyncadd.s32 $0xFFFFF830  }
0x2d: {  	_ =	swait.ge [sflag:s21], $0x7D0  }
0x2e: {  	[sflag:s21] =	ssyncset.done $0x0  }
0x2f: {  	[sflag:s21] =	ssyncadd.s32 $0xFFFFF830  }
0x30: {  	_ =	swait.ge [sflag:s21], $0x7D0  }
0x31: {  	[sflag:s21] =	ssyncset.done $0x0  }
0x32: {  	[sflag:s21] =	ssyncadd.s32 $0xFFFFF830  }
0x33: {  	_ =	swait.ge [sflag:s21], $0x7D0  }
0x34: {  	[sflag:s21] =	ssyncset.done $0x0  }
0x35: {  	[sflag:s21] =	ssyncadd.s32 $0xFFFFF830  }
0x36: {  	_ =	swait.ge [sflag:s21], $0x7D0  }
0x37: {  	[sflag:s21] =	ssyncset.done $0x0  }
0x38: {  	[sflag:s21] =	ssyncadd.s32 $0xFFFFF830  }
0x39: {  	[tilespmem:s23], [sflag:$0x1] =	stream.indirect.gather [hbm4b:s4+s22], $0x10, s3, s22, $0xb8;
	[tilespmem:$0x19720] =	vst v63  }
0x3a: {  	_ = 	snop  }
0x3b: {  	[tilespmem:s24], [sflag:$0x2] =	stream.indirect.gather [hbm4b:s4+s22], $0x10, s22, s22, $0xb8;
	[tilespmem:$0x19720] =	vst v63  }
0x3c: {  	_ =	swait.ge [sflag:s21], $0x7D00  }
0x3d: {  	[sflag:s21] =	ssyncset.done $0x0  }
0x3e: {  	[sflag:s21] =	ssyncadd.s32 $0xFFFF8300  }
0x3f: {  	[bflag:$0x0] =	sbarrier.arrive $0xFFFF  }
0x40: {  	[spmem:s2] =	stream.indirect.scatter.add.f32 [tilespmem:s23], [sflag:$0x3], $0x10, s14, s22, $0xb8;
	[tilespmem:$0x19720] =	vst v63  }
0x41: {  	_ =	swait.ge [sflag:s25], $0x7D00  }
0x42: {  	[sflag:s25] =	ssyncset.done $0x0  }
0x43: {  	[sflag:s25] =	ssyncadd.s32 $0xFFFF8300  }
0x44: {  	[tilespmem:s23], [sflag:$0x1] =	stream.indirect.gather [hbm4b:s4+s22], $0x10, s26, s22, $0xb8;
	[tilespmem:$0x19720] =	vst v63  }
0x45: {  	_ =	swait.ge [sflag:s28], $0x7D00  }
0x46: {  	[sflag:s28] =	ssyncset.done $0x0  }
0x47: {  	[sflag:s28] =	ssyncadd.s32 $0xFFFF8300  }
0x48: {  	[spmem:s2] =	stream.indirect.scatter.add.f32 [tilespmem:s24], [sflag:$0x4], $0x10, s15, s22, $0xb8;
	[tilespmem:$0x19720] =	vst v63  }
0x49: {  	_ =	swait.ge [sflag:s29], $0x7D00  }
0x4a: {  	[sflag:s29] =	ssyncset.done $0x0  }
0x4b: {  	[sflag:s29] =	ssyncadd.s32 $0xFFFF8300  }
0x4c: {  	[tilespmem:s24], [sflag:$0x2] =	stream.indirect.gather [hbm4b:s4+s22], $0x10, s30, s22, $0xb8;
	[tilespmem:$0x19720] =	vst v63  }
0x4d: {  	_ =	swait.ge [sflag:s21], $0x7D00  }
0x4e: {  	[sflag:s21] =	ssyncset.done $0x0  }
0x4f: {  	[sflag:s21] =	ssyncadd.s32 $0xFFFF8300  }
0x50: {  	[spmem:s2] =	stream.indirect.scatter.add.f32 [tilespmem:s23], [sflag:$0x3], $0x10, s16, s22, $0xb8;
	[tilespmem:$0x19720] =	vst v63  }
0x51: {  	_ =	swait.ge [sflag:s25], $0x7D00  }
0x52: {  	[sflag:s25] =	ssyncset.done $0x0  }
0x53: {  	[sflag:s25] =	ssyncadd.s32 $0xFFFF8300  }
0x54: {  	[tilespmem:s23], [sflag:$0x1] =	stream.indirect.gather [hbm4b:s4+s22], $0x10, s31, s22, $0xb8;
	[tilespmem:$0x19720] =	vst v63  }
0x55: {  	_ =	swait.ge [sflag:s28], $0x7D00  }
0x56: {  	[sflag:s28] =	ssyncset.done $0x0  }
0x57: {  	[sflag:s28] =	ssyncadd.s32 $0xFFFF8300  }
0x58: {  	[spmem:s2] =	stream.indirect.scatter.add.f32 [tilespmem:s24], [sflag:$0x4], $0x10, s17, s22, $0xb8;
	[tilespmem:$0x19720] =	vst v63  }
0x59: {  	_ =	swait.ge [sflag:s21], $0x7D00  }
0x5a: {  	[sflag:s21] =	ssyncset.done $0x0  }
0x5b: {  	[sflag:s21] =	ssyncadd.s32 $0xFFFF8300  }
0x5c: {  	[spmem:s2] =	stream.indirect.scatter.add.f32 [tilespmem:s23], [sflag:$0x3], $0x10, s18, s22, $0xb8;
	[tilespmem:$0x19720] =	vst v63  }
0x5d: {  	_ =	swait.ge [sflag:s25], $0x7D00  }
0x5e: {  	[sflag:s25] =	ssyncset.done $0x0  }
0x5f: {  	[sflag:s25] =	ssyncadd.s32 $0xFFFF8300  }
0x60: {  	s19 =	stileid.u32;
	_ =	swait.ge [sflag:s29], $0x7D00  }
0x61: {  	s0 =	sadd.s32 $0x1, s0;
	s1 =	sshll.u32 s19, $0x6;
	[sflag:s29] =	ssyncset.done $0x0  }
0x62: {  	s19 =	sshrl.u32 s11, $0x3;
	p0 =	sne.s32 s0, s13;
	[sflag:s29] =	ssyncadd.s32 $0xFFFF8300  }
.Ltmp1:
0x63: {  	s1 =	sor.u32 $0x1C05, s1;
	[bflag:$0x0] =	sbarrier.arrive $0xFFFF;
	(pc) =	sbr.rel @p0 .LBB2_1-.Ltmp1, $4  }
0x64: {  	[hbm:s12], [sflag:s1] =	dma.local [spmem:s19], $0x4F0  }
0x65: {  	_ =	swait.ge [sflag:s20], $0x4F0  }
0x66: {  	[sflag:s20] =	ssyncset.done $0x0  }
0x67: {  	[sflag:s20] =	ssyncadd.s32 $0xFFFFFB10  }
0x68: {  	_ =	sfence.sel $0x180000  }
0x69: {  	[bflag:$0x0] =	sbarrier.arrive $0xFFFF  }
0x6a: {  	_ =	strace $0x90000047  }
0x6b: {  	s0 =	stileid.u32;
	[bflag:$0x2] =	sbarrier.arrive $0xFFFF  }
0x6c: {  	p0 =	sne.s32 s0, $0x0;
	s0 =	rddreg [dreg:$0x3]  }
0x6d: {  	s0 =	sadd.s32 @!p0 $0x100000, s0  }
0x6e: {  	[sflag:s0] =	ssyncadd.tile.s32 @!p0 $0x1;
	_ =	shalt  }
.Lfunc_end2:
_tile_overlayer_lowered:
.L_overlay_start_2:
0x6f: {  	(tag) =	ssettag $0x2  }
0x70: {  	s0 =	rddreg [dreg:$0x0];
	s2 =	stileid.u32  }
0x71: {  	s1 =	rddreg [dreg:$0x1];
	p0 =	sne.s32 s2, $0x0  }
0x72: {  	s3 =	rddreg [dreg:$0x2];
	[bflag:$0x3] =	sbarrier.arrive $0xFFFF;
	s2 =	simm.s32 @!p0 $0x1C05  }
0x73: {  	[timem:s3], [sflag:s2] =	dma.local @!p0 [hbm:s0], s1  }
0x74: {  	s0 =	simm.s32 @!p0 $0x5  }
0x75: {  	_ =	swait.ge @!p0 [sflag:s0], s1  }
0x76: {  	s1 =	ssub.s32 @!p0 $0x0, s1;
	[sflag:s0] =	ssyncset.done @!p0 $0x0  }
0x77: {  	[sflag:s0] =	ssyncadd.s32 @!p0 s1  }
0x78: {  	[bflag:$0x3] =	sbarrier.arrive $0xFFFF  }
0x79: {  	_ =	shalt  }

</sc_bundles>
